<compile_context>
chip_gen: v7x
topology: tpu7x:2x2x1
jax: 0.10.2.dev20260603
libtpu: 0.0.44.dev20260713+nightly
codegen_flags: <defaults>
</compile_context>

<pallas_src>
import functools

import jax
import jax.numpy as jnp
from jax import lax
from jax.experimental import pallas as pl
from jax.experimental.pallas import tpu as pltpu
from jax.experimental.pallas import tpu_sc as plsc

EMB = 64
NC = 2
NS = 16
NW = NC * NS
LANES = 16
UNROLL = 16


@functools.lru_cache(maxsize=None)
def _make_kernel(hist, batch, vocab):
    n_rounds = EMB // NW
    groups = batch // LANES
    mesh = plsc.VectorSubcoreMesh(core_axis_name="c", subcore_axis_name="s")

    scratch = [
        pltpu.VMEM((vocab,), jnp.float32),
        pltpu.VMEM((batch,), jnp.int32),
        pltpu.VMEM((batch,), jnp.int32),
        pltpu.VMEM((batch,), jnp.float32),
        pltpu.VMEM((batch,), jnp.float32),
        pltpu.SemaphoreType.DMA,
        pltpu.SemaphoreType.DMA,
        pltpu.SemaphoreType.DMA,
        pltpu.SemaphoreType.DMA,
    ]

    @functools.partial(
        pl.kernel,
        mesh=mesh,
        out_type=jax.ShapeDtypeStruct((hist, EMB, batch), jnp.float32),
        scratch_types=scratch,
        compiler_params=pltpu.CompilerParams(
            use_tc_tiling_on_sc=True, needs_layout_passes=False),
    )
    def k(idx_hbm, table_hbm, out_hbm, row_v, ix0, ix1, ov0, ov1,
          isem0, isem1, osem0, osem1):
        ix = (ix0, ix1)
        ov = (ov0, ov1)
        isem = (isem0, isem1)
        osem = (osem0, osem1)
        wid = lax.axis_index("s") * NC + lax.axis_index("c")

        def drain_out(b):
            pltpu.make_async_copy(ov[b], out_hbm.at[0, 0], osem[b]).wait()

        def gather_h(ixb, ovb):
            @plsc.parallel_loop(0, batch, LANES, unroll=UNROLL)
            def _(off):
                iv = ixb[pl.ds(off, LANES)]
                ovb[pl.ds(off, LANES)] = plsc.load_gather(row_v, [iv])

        for r in range(n_rounds):
            e = wid + NW * r
            pltpu.sync_copy(table_hbm.at[e], row_v)
            for b in range(2):
                pltpu.async_copy(idx_hbm.at[b], ix[b], isem[b])

            def h_pair(t, carry):
                for b in range(2):
                    h = t * 2 + b
                    pltpu.make_async_copy(
                        idx_hbm.at[h], ix[b], isem[b]).wait()
                    if r == 0:
                        @pl.when(h >= 2)
                        def _():
                            drain_out(b)
                    else:
                        drain_out(b)
                    gather_h(ix[b], ov[b])
                    pltpu.async_copy(ov[b], out_hbm.at[h, e], osem[b])

                    @pl.when(h + 2 < hist)
                    def _():
                        pltpu.async_copy(idx_hbm.at[h + 2], ix[b], isem[b])
                return carry

            lax.fori_loop(0, hist // 2, h_pair, 0)

        for b in range(2):
            drain_out(b)

    return k


def kernel(input_tensor, table):
    batch, hist = input_tensor.shape
    vocab, emb = table.shape
    idx_t = input_tensor.T.astype(jnp.int32)
    table_t = table.T
    out_t = _make_kernel(hist, batch, vocab)(idx_t, table_t)
    return jnp.transpose(out_t, (2, 0, 1))

# --- scband reference (transcript-rebuilt; emitter-appended) ---
"""Pipeline reference for scband-embedding-layer-7722351198829 (READ-ONLY COPY).

The authoritative reference and input builder live on the scoring server;
editing this copy changes nothing except your own understanding.
"""

import jax, jax.numpy as jnp
import numpy as np

VOCAB = 100000
EMBED_DIM = 64
BATCH = 4096
HIST = 50

def setup_inputs(seed: int = 0) -> dict:
    key = jax.random.key(seed)
    k_idx, k_tab = jax.random.split(key)
    input_tensor = jax.random.randint(k_idx, (BATCH, HIST), 0, VOCAB, dtype=jnp.int64 if jax.config.jax_enable_x64 else jnp.int32)
    table = jax.random.normal(k_tab, (VOCAB, EMBED_DIM), dtype=jnp.float32) * 0.02
    return {"input_tensor": input_tensor, "table": table}

def reference(input_tensor, table):
    # Faithful to keras Embedding: gather rows of the embedding table by index.
    features = jnp.take(table, input_tensor, axis=0)
    return features

if __name__ == "__main__":
    import jax
    _d = setup_inputs()
    print(jax.jit(kernel)(*tuple(_d.values())))

</pallas_src>

<mosaic_0001>
#map = affine_map<(d0, d1) -> (0, 0)>
#map1 = affine_map<(d0, d1) -> (0, 0, 0)>
module attributes {stable_mosaic.version = 14 : i64} {
  func.func @k(%arg0: i32, %arg1: i32, %arg2: memref<50x4096xi32, #tpu.memory_space<hbm>>, %arg3: memref<64x100000xf32, #tpu.memory_space<hbm>>, %arg4: memref<50x64x4096xf32, #tpu.memory_space<hbm>>, %arg5: memref<100000xf32, #tpu.memory_space<vmem>>, %arg6: memref<4096xi32, #tpu.memory_space<vmem>>, %arg7: memref<4096xi32, #tpu.memory_space<vmem>>, %arg8: memref<4096xf32, #tpu.memory_space<vmem>>, %arg9: memref<4096xf32, #tpu.memory_space<vmem>>, %arg10: memref<!tpu.dma_semaphore, #tpu.memory_space<semaphore_mem>>, %arg11: memref<!tpu.dma_semaphore, #tpu.memory_space<semaphore_mem>>, %arg12: memref<!tpu.dma_semaphore, #tpu.memory_space<semaphore_mem>>, %arg13: memref<!tpu.dma_semaphore, #tpu.memory_space<semaphore_mem>>) attributes {dimension_semantics = [#tpu.dimension_semantics<core_parallel>, #tpu.dimension_semantics<subcore_parallel>], iteration_bounds = array<i64: 2, 16>, scalar_prefetch = 0 : i64, scratch_operands = 9 : i64, tpu.core_type = #tpu.core_type<sc_vector_subcore>, window_params = [{transform_indices = #map}, {transform_indices = #map}, {transform_indices = #map1}]} {
    %mul3A = arith.constant 2 : i32
    %mul3A_0 = arith.muli %arg1, %mul3A : i32
    %add3A = arith.addi %mul3A_0, %arg0 : i32
    %add3A_1 = arith.constant 0 : i32
    %add3A_2 = arith.addi %add3A, %add3A_1 : i32
    "tpu.region"() ({
      %run_scoped3A = tpu.sem_alloc : memref<!tpu.dma_semaphore, #tpu.memory_space<semaphore_mem>>
      %dma_start3A_58 = arith.constant 0 : i32
      %dma_start3A_59 = tpu.memref_slice %arg3[%add3A_2, %dma_start3A_58] : memref<64x100000xf32, #tpu.memory_space<hbm>> -> memref<1x100000xf32, #tpu.memory_space<hbm>>
      %dma_start3A_60 = tpu.memref_squeeze %dma_start3A_59 : memref<1x100000xf32, #tpu.memory_space<hbm>> -> memref<100000xf32, #tpu.memory_space<hbm>>
      %dma_start3A_61 = arith.constant 0 : i32
      %dma_start3A_62 = tpu.memref_slice %arg3[%add3A_2, %dma_start3A_61] : memref<64x100000xf32, #tpu.memory_space<hbm>> -> memref<1x100000xf32, #tpu.memory_space<hbm>>
      %dma_start3A_63 = tpu.memref_squeeze %dma_start3A_62 : memref<1x100000xf32, #tpu.memory_space<hbm>> -> memref<100000xf32, #tpu.memory_space<hbm>>
      tpu.enqueue_dma source(%dma_start3A_63 : memref<100000xf32, #tpu.memory_space<hbm>>) target(%arg5 : memref<100000xf32, #tpu.memory_space<vmem>>) target_semaphore(%run_scoped3A : memref<!tpu.dma_semaphore, #tpu.memory_space<semaphore_mem>>)
      %dma_wait3A_64 = arith.constant 0 : i32
      %dma_wait3A_65 = tpu.memref_slice %arg3[%add3A_2, %dma_wait3A_64] : memref<64x100000xf32, #tpu.memory_space<hbm>> -> memref<1x100000xf32, #tpu.memory_space<hbm>>
      %dma_wait3A_66 = tpu.memref_squeeze %dma_wait3A_65 : memref<1x100000xf32, #tpu.memory_space<hbm>> -> memref<100000xf32, #tpu.memory_space<hbm>>
      %dma_wait3A_67 = arith.constant 0 : i32
      %dma_wait3A_68 = tpu.memref_slice %arg3[%add3A_2, %dma_wait3A_67] : memref<64x100000xf32, #tpu.memory_space<hbm>> -> memref<1x100000xf32, #tpu.memory_space<hbm>>
      %dma_wait3A_69 = tpu.memref_squeeze %dma_wait3A_68 : memref<1x100000xf32, #tpu.memory_space<hbm>> -> memref<100000xf32, #tpu.memory_space<hbm>>
      tpu.wait_dma2 semaphore(%run_scoped3A : memref<!tpu.dma_semaphore, #tpu.memory_space<semaphore_mem>>) src(%dma_wait3A_69 : memref<100000xf32, #tpu.memory_space<hbm>>) dst(%arg5 : memref<100000xf32, #tpu.memory_space<vmem>>)
      tpu.yield
    }) : () -> ()
    %dma_start3A = arith.constant 0 : i32
    %dma_start3A_3 = arith.constant 0 : i32
    %dma_start3A_4 = tpu.memref_slice %arg2[%dma_start3A, %dma_start3A_3] : memref<50x4096xi32, #tpu.memory_space<hbm>> -> memref<1x4096xi32, #tpu.memory_space<hbm>>
    %dma_start3A_5 = tpu.memref_squeeze %dma_start3A_4 : memref<1x4096xi32, #tpu.memory_space<hbm>> -> memref<4096xi32, #tpu.memory_space<hbm>>
    %dma_start3A_6 = arith.constant 0 : i32
    %dma_start3A_7 = tpu.memref_slice %arg2[%dma_start3A, %dma_start3A_6] : memref<50x4096xi32, #tpu.memory_space<hbm>> -> memref<1x4096xi32, #tpu.memory_space<hbm>>
    %dma_start3A_8 = tpu.memref_squeeze %dma_start3A_7 : memref<1x4096xi32, #tpu.memory_space<hbm>> -> memref<4096xi32, #tpu.memory_space<hbm>>
    tpu.enqueue_dma source(%dma_start3A_8 : memref<4096xi32, #tpu.memory_space<hbm>>) target(%arg6 : memref<4096xi32, #tpu.memory_space<vmem>>) target_semaphore(%arg10 : memref<!tpu.dma_semaphore, #tpu.memory_space<semaphore_mem>>)
    %dma_start3A_9 = arith.constant 1 : i32
    %dma_start3A_10 = arith.constant 0 : i32
    %dma_start3A_11 = tpu.memref_slice %arg2[%dma_start3A_9, %dma_start3A_10] : memref<50x4096xi32, #tpu.memory_space<hbm>> -> memref<1x4096xi32, #tpu.memory_space<hbm>>
    %dma_start3A_12 = tpu.memref_squeeze %dma_start3A_11 : memref<1x4096xi32, #tpu.memory_space<hbm>> -> memref<4096xi32, #tpu.memory_space<hbm>>
    %dma_start3A_13 = arith.constant 0 : i32
    %dma_start3A_14 = tpu.memref_slice %arg2[%dma_start3A_9, %dma_start3A_13] : memref<50x4096xi32, #tpu.memory_space<hbm>> -> memref<1x4096xi32, #tpu.memory_space<hbm>>
    %dma_start3A_15 = tpu.memref_squeeze %dma_start3A_14 : memref<1x4096xi32, #tpu.memory_space<hbm>> -> memref<4096xi32, #tpu.memory_space<hbm>>
    tpu.enqueue_dma source(%dma_start3A_15 : memref<4096xi32, #tpu.memory_space<hbm>>) target(%arg7 : memref<4096xi32, #tpu.memory_space<vmem>>) target_semaphore(%arg11 : memref<!tpu.dma_semaphore, #tpu.memory_space<semaphore_mem>>)
    %scan3A = arith.constant 0 : i32
    %scan3A_16 = arith.constant 0 : i32
    %scan3A_17 = arith.constant 25 : i32
    %scan3A_18 = arith.addi %scan3A_16, %scan3A_17 : i32
    %scan3A_19 = arith.constant 1 : i32
    scf.for %scan3A_58 = %scan3A_16 to %scan3A_18 step %scan3A_19  : i32 {
      %mul3A_59 = arith.constant 2 : i32
      %mul3A_60 = arith.muli %scan3A_58, %mul3A_59 : i32
      %add3A_61 = arith.constant 0 : i32
      %add3A_62 = arith.addi %mul3A_60, %add3A_61 : i32
      %dma_wait3A_63 = arith.constant 0 : i32
      %dma_wait3A_64 = tpu.memref_slice %arg2[%add3A_62, %dma_wait3A_63] : memref<50x4096xi32, #tpu.memory_space<hbm>> -> memref<1x4096xi32, #tpu.memory_space<hbm>>
      %dma_wait3A_65 = tpu.memref_squeeze %dma_wait3A_64 : memref<1x4096xi32, #tpu.memory_space<hbm>> -> memref<4096xi32, #tpu.memory_space<hbm>>
      %dma_wait3A_66 = arith.constant 0 : i32
      %dma_wait3A_67 = tpu.memref_slice %arg2[%add3A_62, %dma_wait3A_66] : memref<50x4096xi32, #tpu.memory_space<hbm>> -> memref<1x4096xi32, #tpu.memory_space<hbm>>
      %dma_wait3A_68 = tpu.memref_squeeze %dma_wait3A_67 : memref<1x4096xi32, #tpu.memory_space<hbm>> -> memref<4096xi32, #tpu.memory_space<hbm>>
      tpu.wait_dma2 semaphore(%arg10 : memref<!tpu.dma_semaphore, #tpu.memory_space<semaphore_mem>>) src(%dma_wait3A_68 : memref<4096xi32, #tpu.memory_space<hbm>>) dst(%arg6 : memref<4096xi32, #tpu.memory_space<vmem>>)
      %ge3A = arith.constant 2 : i32
      %ge3A_69 = arith.cmpi sge, %add3A_62, %ge3A : i32
      %convert_element_type3A = arith.extui %ge3A_69 : i1 to i32
      %cond3A = arith.constant 0 : i32
      %cond3A_70 = arith.cmpi ne, %convert_element_type3A, %cond3A : i32
      scf.if %cond3A_70 {
        %dma_wait3A_116 = arith.constant 0 : i32
        %dma_wait3A_117 = arith.constant 0 : i32
        %dma_wait3A_118 = arith.constant 0 : i32
        %dma_wait3A_119 = tpu.memref_slice %arg4[%dma_wait3A_116, %dma_wait3A_117, %dma_wait3A_118] : memref<50x64x4096xf32, #tpu.memory_space<hbm>> -> memref<1x1x4096xf32, #tpu.memory_space<hbm>>
        %dma_wait3A_120 = tpu.memref_squeeze %dma_wait3A_119 : memref<1x1x4096xf32, #tpu.memory_space<hbm>> -> memref<4096xf32, #tpu.memory_space<hbm>>
        %dma_wait3A_121 = arith.constant 0 : i32
        %dma_wait3A_122 = tpu.memref_slice %arg4[%dma_wait3A_116, %dma_wait3A_117, %dma_wait3A_121] : memref<50x64x4096xf32, #tpu.memory_space<hbm>> -> memref<1x1x4096xf32, #tpu.memory_space<hbm>>
        %dma_wait3A_123 = tpu.memref_squeeze %dma_wait3A_122 : memref<1x1x4096xf32, #tpu.memory_space<hbm>> -> memref<4096xf32, #tpu.memory_space<hbm>>
        tpu.wait_dma2 semaphore(%arg12 : memref<!tpu.dma_semaphore, #tpu.memory_space<semaphore_mem>>) src(%arg8 : memref<4096xf32, #tpu.memory_space<vmem>>) dst(%dma_wait3A_123 : memref<4096xf32, #tpu.memory_space<hbm>>)
      } else {
      }
      %parallel_loop3A = arith.constant 0 : i32
      %parallel_loop3A_71 = arith.constant 4096 : i32
      %parallel_loop3A_72 = arith.constant 16 : i32
      scf.for %parallel_loop3A_116 = %parallel_loop3A to %parallel_loop3A_71 step %parallel_loop3A_72  : i32 {
        %parallel_loop3A_117 = arith.index_cast %parallel_loop3A_116 : i32 to index
        %parallel_loop3A_118 = tpu.vector_load %arg6[%parallel_loop3A_117] {strides = array<i32>} : memref<4096xi32, #tpu.memory_space<vmem>>, vector<16xi32>,
        %parallel_loop3A_119 = tpu.vector_load_idx %arg5[%parallel_loop3A_118] : memref<100000xf32, #tpu.memory_space<vmem>>[vector<16xi32>], vector<16xf32>,
        %parallel_loop3A_120 = arith.index_cast %parallel_loop3A_116 : i32 to index
        %parallel_loop3A_121 = tpu.vector_load %arg8[%parallel_loop3A_120] {strides = array<i32>} : memref<4096xf32, #tpu.memory_space<vmem>>, vector<16xf32>,
        tpu.vector_store %arg8[%parallel_loop3A_120], %parallel_loop3A_119 {strides = array<i32>} : memref<4096xf32, #tpu.memory_space<vmem>>, vector<16xf32>,
      } {sc.loop_unroll_factor = 16 : i64, sc.parallel_access}
      %dma_start3A_73 = arith.constant 0 : i32
      %dma_start3A_74 = tpu.memref_slice %arg4[%add3A_62, %add3A_2, %dma_start3A_73] : memref<50x64x4096xf32, #tpu.memory_space<hbm>> -> memref<1x1x4096xf32, #tpu.memory_space<hbm>>
      %dma_start3A_75 = tpu.memref_squeeze %dma_start3A_74 : memref<1x1x4096xf32, #tpu.memory_space<hbm>> -> memref<4096xf32, #tpu.memory_space<hbm>>
      %dma_start3A_76 = arith.constant 0 : i32
      %dma_start3A_77 = tpu.memref_slice %arg4[%add3A_62, %add3A_2, %dma_start3A_76] : memref<50x64x4096xf32, #tpu.memory_space<hbm>> -> memref<1x1x4096xf32, #tpu.memory_space<hbm>>
      %dma_start3A_78 = tpu.memref_squeeze %dma_start3A_77 : memref<1x1x4096xf32, #tpu.memory_space<hbm>> -> memref<4096xf32, #tpu.memory_space<hbm>>
      tpu.enqueue_dma source(%arg8 : memref<4096xf32, #tpu.memory_space<vmem>>) target(%dma_start3A_78 : memref<4096xf32, #tpu.memory_space<hbm>>) target_semaphore(%arg12 : memref<!tpu.dma_semaphore, #tpu.memory_space<semaphore_mem>>)
      %add3A_79 = arith.constant 2 : i32
      %add3A_80 = arith.addi %add3A_62, %add3A_79 : i32
      %lt3A = arith.constant 50 : i32
      %lt3A_81 = arith.cmpi slt, %add3A_80, %lt3A : i32
      %convert_element_type3A_82 = arith.extui %lt3A_81 : i1 to i32
      %cond3A_83 = arith.constant 0 : i32
      %cond3A_84 = arith.cmpi ne, %convert_element_type3A_82, %cond3A_83 : i32
      scf.if %cond3A_84 {
        %add3A_116 = arith.constant 2 : i32
        %add3A_117 = arith.addi %add3A_62, %add3A_116 : i32
        %dma_start3A_118 = arith.constant 0 : i32
        %dma_start3A_119 = tpu.memref_slice %arg2[%add3A_117, %dma_start3A_118] : memref<50x4096xi32, #tpu.memory_space<hbm>> -> memref<1x4096xi32, #tpu.memory_space<hbm>>
        %dma_start3A_120 = tpu.memref_squeeze %dma_start3A_119 : memref<1x4096xi32, #tpu.memory_space<hbm>> -> memref<4096xi32, #tpu.memory_space<hbm>>
        %dma_start3A_121 = arith.constant 0 : i32
        %dma_start3A_122 = tpu.memref_slice %arg2[%add3A_117, %dma_start3A_121] : memref<50x4096xi32, #tpu.memory_space<hbm>> -> memref<1x4096xi32, #tpu.memory_space<hbm>>
        %dma_start3A_123 = tpu.memref_squeeze %dma_start3A_122 : memref<1x4096xi32, #tpu.memory_space<hbm>> -> memref<4096xi32, #tpu.memory_space<hbm>>
        tpu.enqueue_dma source(%dma_start3A_123 : memref<4096xi32, #tpu.memory_space<hbm>>) target(%arg6 : memref<4096xi32, #tpu.memory_space<vmem>>) target_semaphore(%arg10 : memref<!tpu.dma_semaphore, #tpu.memory_space<semaphore_mem>>)
      } else {
      }
      %mul3A_85 = arith.constant 2 : i32
      %mul3A_86 = arith.muli %scan3A_58, %mul3A_85 : i32
      %add3A_87 = arith.constant 1 : i32
      %add3A_88 = arith.addi %mul3A_86, %add3A_87 : i32
      %dma_wait3A_89 = arith.constant 0 : i32
      %dma_wait3A_90 = tpu.memref_slice %arg2[%add3A_88, %dma_wait3A_89] : memref<50x4096xi32, #tpu.memory_space<hbm>> -> memref<1x4096xi32, #tpu.memory_space<hbm>>
      %dma_wait3A_91 = tpu.memref_squeeze %dma_wait3A_90 : memref<1x4096xi32, #tpu.memory_space<hbm>> -> memref<4096xi32, #tpu.memory_space<hbm>>
      %dma_wait3A_92 = arith.constant 0 : i32
      %dma_wait3A_93 = tpu.memref_slice %arg2[%add3A_88, %dma_wait3A_92] : memref<50x4096xi32, #tpu.memory_space<hbm>> -> memref<1x4096xi32, #tpu.memory_space<hbm>>
      %dma_wait3A_94 = tpu.memref_squeeze %dma_wait3A_93 : memref<1x4096xi32, #tpu.memory_space<hbm>> -> memref<4096xi32, #tpu.memory_space<hbm>>
      tpu.wait_dma2 semaphore(%arg11 : memref<!tpu.dma_semaphore, #tpu.memory_space<semaphore_mem>>) src(%dma_wait3A_94 : memref<4096xi32, #tpu.memory_space<hbm>>) dst(%arg7 : memref<4096xi32, #tpu.memory_space<vmem>>)
      %ge3A_95 = arith.constant 2 : i32
      %ge3A_96 = arith.cmpi sge, %add3A_88, %ge3A_95 : i32
      %convert_element_type3A_97 = arith.extui %ge3A_96 : i1 to i32
      %cond3A_98 = arith.constant 0 : i32
      %cond3A_99 = arith.cmpi ne, %convert_element_type3A_97, %cond3A_98 : i32
      scf.if %cond3A_99 {
        %dma_wait3A_116 = arith.constant 0 : i32
        %dma_wait3A_117 = arith.constant 0 : i32
        %dma_wait3A_118 = arith.constant 0 : i32
        %dma_wait3A_119 = tpu.memref_slice %arg4[%dma_wait3A_116, %dma_wait3A_117, %dma_wait3A_118] : memref<50x64x4096xf32, #tpu.memory_space<hbm>> -> memref<1x1x4096xf32, #tpu.memory_space<hbm>>
        %dma_wait3A_120 = tpu.memref_squeeze %dma_wait3A_119 : memref<1x1x4096xf32, #tpu.memory_space<hbm>> -> memref<4096xf32, #tpu.memory_space<hbm>>
        %dma_wait3A_121 = arith.constant 0 : i32
        %dma_wait3A_122 = tpu.memref_slice %arg4[%dma_wait3A_116, %dma_wait3A_117, %dma_wait3A_121] : memref<50x64x4096xf32, #tpu.memory_space<hbm>> -> memref<1x1x4096xf32, #tpu.memory_space<hbm>>
        %dma_wait3A_123 = tpu.memref_squeeze %dma_wait3A_122 : memref<1x1x4096xf32, #tpu.memory_space<hbm>> -> memref<4096xf32, #tpu.memory_space<hbm>>
        tpu.wait_dma2 semaphore(%arg13 : memref<!tpu.dma_semaphore, #tpu.memory_space<semaphore_mem>>) src(%arg9 : memref<4096xf32, #tpu.memory_space<vmem>>) dst(%dma_wait3A_123 : memref<4096xf32, #tpu.memory_space<hbm>>)
      } else {
      }
      %parallel_loop3A_100 = arith.constant 0 : i32
      %parallel_loop3A_101 = arith.constant 4096 : i32
      %parallel_loop3A_102 = arith.constant 16 : i32
      scf.for %parallel_loop3A_116 = %parallel_loop3A_100 to %parallel_loop3A_101 step %parallel_loop3A_102  : i32 {
        %parallel_loop3A_117 = arith.index_cast %parallel_loop3A_116 : i32 to index
        %parallel_loop3A_118 = tpu.vector_load %arg7[%parallel_loop3A_117] {strides = array<i32>} : memref<4096xi32, #tpu.memory_space<vmem>>, vector<16xi32>,
        %parallel_loop3A_119 = tpu.vector_load_idx %arg5[%parallel_loop3A_118] : memref<100000xf32, #tpu.memory_space<vmem>>[vector<16xi32>], vector<16xf32>,
        %parallel_loop3A_120 = arith.index_cast %parallel_loop3A_116 : i32 to index
        %parallel_loop3A_121 = tpu.vector_load %arg9[%parallel_loop3A_120] {strides = array<i32>} : memref<4096xf32, #tpu.memory_space<vmem>>, vector<16xf32>,
        tpu.vector_store %arg9[%parallel_loop3A_120], %parallel_loop3A_119 {strides = array<i32>} : memref<4096xf32, #tpu.memory_space<vmem>>, vector<16xf32>,
      } {sc.loop_unroll_factor = 16 : i64, sc.parallel_access}
      %dma_start3A_103 = arith.constant 0 : i32
      %dma_start3A_104 = tpu.memref_slice %arg4[%add3A_88, %add3A_2, %dma_start3A_103] : memref<50x64x4096xf32, #tpu.memory_space<hbm>> -> memref<1x1x4096xf32, #tpu.memory_space<hbm>>
      %dma_start3A_105 = tpu.memref_squeeze %dma_start3A_104 : memref<1x1x4096xf32, #tpu.memory_space<hbm>> -> memref<4096xf32, #tpu.memory_space<hbm>>
      %dma_start3A_106 = arith.constant 0 : i32
      %dma_start3A_107 = tpu.memref_slice %arg4[%add3A_88, %add3A_2, %dma_start3A_106] : memref<50x64x4096xf32, #tpu.memory_space<hbm>> -> memref<1x1x4096xf32, #tpu.memory_space<hbm>>
      %dma_start3A_108 = tpu.memref_squeeze %dma_start3A_107 : memref<1x1x4096xf32, #tpu.memory_space<hbm>> -> memref<4096xf32, #tpu.memory_space<hbm>>
      tpu.enqueue_dma source(%arg9 : memref<4096xf32, #tpu.memory_space<vmem>>) target(%dma_start3A_108 : memref<4096xf32, #tpu.memory_space<hbm>>) target_semaphore(%arg13 : memref<!tpu.dma_semaphore, #tpu.memory_space<semaphore_mem>>)
      %add3A_109 = arith.constant 2 : i32
      %add3A_110 = arith.addi %add3A_88, %add3A_109 : i32
      %lt3A_111 = arith.constant 50 : i32
      %lt3A_112 = arith.cmpi slt, %add3A_110, %lt3A_111 : i32
      %convert_element_type3A_113 = arith.extui %lt3A_112 : i1 to i32
      %cond3A_114 = arith.constant 0 : i32
      %cond3A_115 = arith.cmpi ne, %convert_element_type3A_113, %cond3A_114 : i32
      scf.if %cond3A_115 {
        %add3A_116 = arith.constant 2 : i32
        %add3A_117 = arith.addi %add3A_88, %add3A_116 : i32
        %dma_start3A_118 = arith.constant 0 : i32
        %dma_start3A_119 = tpu.memref_slice %arg2[%add3A_117, %dma_start3A_118] : memref<50x4096xi32, #tpu.memory_space<hbm>> -> memref<1x4096xi32, #tpu.memory_space<hbm>>
        %dma_start3A_120 = tpu.memref_squeeze %dma_start3A_119 : memref<1x4096xi32, #tpu.memory_space<hbm>> -> memref<4096xi32, #tpu.memory_space<hbm>>
        %dma_start3A_121 = arith.constant 0 : i32
        %dma_start3A_122 = tpu.memref_slice %arg2[%add3A_117, %dma_start3A_121] : memref<50x4096xi32, #tpu.memory_space<hbm>> -> memref<1x4096xi32, #tpu.memory_space<hbm>>
        %dma_start3A_123 = tpu.memref_squeeze %dma_start3A_122 : memref<1x4096xi32, #tpu.memory_space<hbm>> -> memref<4096xi32, #tpu.memory_space<hbm>>
        tpu.enqueue_dma source(%dma_start3A_123 : memref<4096xi32, #tpu.memory_space<hbm>>) target(%arg7 : memref<4096xi32, #tpu.memory_space<vmem>>) target_semaphore(%arg11 : memref<!tpu.dma_semaphore, #tpu.memory_space<semaphore_mem>>)
      } else {
      }
    }
    %scan3A_20 = arith.constant 25 : i32
    %add3A_21 = arith.constant 32 : i32
    %add3A_22 = arith.addi %add3A, %add3A_21 : i32
    "tpu.region"() ({
      %run_scoped3A = tpu.sem_alloc : memref<!tpu.dma_semaphore, #tpu.memory_space<semaphore_mem>>
      %dma_start3A_58 = arith.constant 0 : i32
      %dma_start3A_59 = tpu.memref_slice %arg3[%add3A_22, %dma_start3A_58] : memref<64x100000xf32, #tpu.memory_space<hbm>> -> memref<1x100000xf32, #tpu.memory_space<hbm>>
      %dma_start3A_60 = tpu.memref_squeeze %dma_start3A_59 : memref<1x100000xf32, #tpu.memory_space<hbm>> -> memref<100000xf32, #tpu.memory_space<hbm>>
      %dma_start3A_61 = arith.constant 0 : i32
      %dma_start3A_62 = tpu.memref_slice %arg3[%add3A_22, %dma_start3A_61] : memref<64x100000xf32, #tpu.memory_space<hbm>> -> memref<1x100000xf32, #tpu.memory_space<hbm>>
      %dma_start3A_63 = tpu.memref_squeeze %dma_start3A_62 : memref<1x100000xf32, #tpu.memory_space<hbm>> -> memref<100000xf32, #tpu.memory_space<hbm>>
      tpu.enqueue_dma source(%dma_start3A_63 : memref<100000xf32, #tpu.memory_space<hbm>>) target(%arg5 : memref<100000xf32, #tpu.memory_space<vmem>>) target_semaphore(%run_scoped3A : memref<!tpu.dma_semaphore, #tpu.memory_space<semaphore_mem>>)
      %dma_wait3A_64 = arith.constant 0 : i32
      %dma_wait3A_65 = tpu.memref_slice %arg3[%add3A_22, %dma_wait3A_64] : memref<64x100000xf32, #tpu.memory_space<hbm>> -> memref<1x100000xf32, #tpu.memory_space<hbm>>
      %dma_wait3A_66 = tpu.memref_squeeze %dma_wait3A_65 : memref<1x100000xf32, #tpu.memory_space<hbm>> -> memref<100000xf32, #tpu.memory_space<hbm>>
      %dma_wait3A_67 = arith.constant 0 : i32
      %dma_wait3A_68 = tpu.memref_slice %arg3[%add3A_22, %dma_wait3A_67] : memref<64x100000xf32, #tpu.memory_space<hbm>> -> memref<1x100000xf32, #tpu.memory_space<hbm>>
      %dma_wait3A_69 = tpu.memref_squeeze %dma_wait3A_68 : memref<1x100000xf32, #tpu.memory_space<hbm>> -> memref<100000xf32, #tpu.memory_space<hbm>>
      tpu.wait_dma2 semaphore(%run_scoped3A : memref<!tpu.dma_semaphore, #tpu.memory_space<semaphore_mem>>) src(%dma_wait3A_69 : memref<100000xf32, #tpu.memory_space<hbm>>) dst(%arg5 : memref<100000xf32, #tpu.memory_space<vmem>>)
      tpu.yield
    }) : () -> ()
    %dma_start3A_23 = arith.constant 0 : i32
    %dma_start3A_24 = arith.constant 0 : i32
    %dma_start3A_25 = tpu.memref_slice %arg2[%dma_start3A_23, %dma_start3A_24] : memref<50x4096xi32, #tpu.memory_space<hbm>> -> memref<1x4096xi32, #tpu.memory_space<hbm>>
    %dma_start3A_26 = tpu.memref_squeeze %dma_start3A_25 : memref<1x4096xi32, #tpu.memory_space<hbm>> -> memref<4096xi32, #tpu.memory_space<hbm>>
    %dma_start3A_27 = arith.constant 0 : i32
    %dma_start3A_28 = tpu.memref_slice %arg2[%dma_start3A_23, %dma_start3A_27] : memref<50x4096xi32, #tpu.memory_space<hbm>> -> memref<1x4096xi32, #tpu.memory_space<hbm>>
    %dma_start3A_29 = tpu.memref_squeeze %dma_start3A_28 : memref<1x4096xi32, #tpu.memory_space<hbm>> -> memref<4096xi32, #tpu.memory_space<hbm>>
    tpu.enqueue_dma source(%dma_start3A_29 : memref<4096xi32, #tpu.memory_space<hbm>>) target(%arg6 : memref<4096xi32, #tpu.memory_space<vmem>>) target_semaphore(%arg10 : memref<!tpu.dma_semaphore, #tpu.memory_space<semaphore_mem>>)
    %dma_start3A_30 = arith.constant 1 : i32
    %dma_start3A_31 = arith.constant 0 : i32
    %dma_start3A_32 = tpu.memref_slice %arg2[%dma_start3A_30, %dma_start3A_31] : memref<50x4096xi32, #tpu.memory_space<hbm>> -> memref<1x4096xi32, #tpu.memory_space<hbm>>
    %dma_start3A_33 = tpu.memref_squeeze %dma_start3A_32 : memref<1x4096xi32, #tpu.memory_space<hbm>> -> memref<4096xi32, #tpu.memory_space<hbm>>
    %dma_start3A_34 = arith.constant 0 : i32
    %dma_start3A_35 = tpu.memref_slice %arg2[%dma_start3A_30, %dma_start3A_34] : memref<50x4096xi32, #tpu.memory_space<hbm>> -> memref<1x4096xi32, #tpu.memory_space<hbm>>
    %dma_start3A_36 = tpu.memref_squeeze %dma_start3A_35 : memref<1x4096xi32, #tpu.memory_space<hbm>> -> memref<4096xi32, #tpu.memory_space<hbm>>
    tpu.enqueue_dma source(%dma_start3A_36 : memref<4096xi32, #tpu.memory_space<hbm>>) target(%arg7 : memref<4096xi32, #tpu.memory_space<vmem>>) target_semaphore(%arg11 : memref<!tpu.dma_semaphore, #tpu.memory_space<semaphore_mem>>)
    %scan3A_37 = arith.constant 0 : i32
    %scan3A_38 = arith.constant 0 : i32
    %scan3A_39 = arith.constant 25 : i32
    %scan3A_40 = arith.addi %scan3A_38, %scan3A_39 : i32
    %scan3A_41 = arith.constant 1 : i32
    scf.for %scan3A_58 = %scan3A_38 to %scan3A_40 step %scan3A_41  : i32 {
      %mul3A_59 = arith.constant 2 : i32
      %mul3A_60 = arith.muli %scan3A_58, %mul3A_59 : i32
      %add3A_61 = arith.constant 0 : i32
      %add3A_62 = arith.addi %mul3A_60, %add3A_61 : i32
      %dma_wait3A_63 = arith.constant 0 : i32
      %dma_wait3A_64 = tpu.memref_slice %arg2[%add3A_62, %dma_wait3A_63] : memref<50x4096xi32, #tpu.memory_space<hbm>> -> memref<1x4096xi32, #tpu.memory_space<hbm>>
      %dma_wait3A_65 = tpu.memref_squeeze %dma_wait3A_64 : memref<1x4096xi32, #tpu.memory_space<hbm>> -> memref<4096xi32, #tpu.memory_space<hbm>>
      %dma_wait3A_66 = arith.constant 0 : i32
      %dma_wait3A_67 = tpu.memref_slice %arg2[%add3A_62, %dma_wait3A_66] : memref<50x4096xi32, #tpu.memory_space<hbm>> -> memref<1x4096xi32, #tpu.memory_space<hbm>>
      %dma_wait3A_68 = tpu.memref_squeeze %dma_wait3A_67 : memref<1x4096xi32, #tpu.memory_space<hbm>> -> memref<4096xi32, #tpu.memory_space<hbm>>
      tpu.wait_dma2 semaphore(%arg10 : memref<!tpu.dma_semaphore, #tpu.memory_space<semaphore_mem>>) src(%dma_wait3A_68 : memref<4096xi32, #tpu.memory_space<hbm>>) dst(%arg6 : memref<4096xi32, #tpu.memory_space<vmem>>)
      %dma_wait3A_69 = arith.constant 0 : i32
      %dma_wait3A_70 = arith.constant 0 : i32
      %dma_wait3A_71 = arith.constant 0 : i32
      %dma_wait3A_72 = tpu.memref_slice %arg4[%dma_wait3A_69, %dma_wait3A_70, %dma_wait3A_71] : memref<50x64x4096xf32, #tpu.memory_space<hbm>> -> memref<1x1x4096xf32, #tpu.memory_space<hbm>>
      %dma_wait3A_73 = tpu.memref_squeeze %dma_wait3A_72 : memref<1x1x4096xf32, #tpu.memory_space<hbm>> -> memref<4096xf32, #tpu.memory_space<hbm>>
      %dma_wait3A_74 = arith.constant 0 : i32
      %dma_wait3A_75 = tpu.memref_slice %arg4[%dma_wait3A_69, %dma_wait3A_70, %dma_wait3A_74] : memref<50x64x4096xf32, #tpu.memory_space<hbm>> -> memref<1x1x4096xf32, #tpu.memory_space<hbm>>
      %dma_wait3A_76 = tpu.memref_squeeze %dma_wait3A_75 : memref<1x1x4096xf32, #tpu.memory_space<hbm>> -> memref<4096xf32, #tpu.memory_space<hbm>>
      tpu.wait_dma2 semaphore(%arg12 : memref<!tpu.dma_semaphore, #tpu.memory_space<semaphore_mem>>) src(%arg8 : memref<4096xf32, #tpu.memory_space<vmem>>) dst(%dma_wait3A_76 : memref<4096xf32, #tpu.memory_space<hbm>>)
      %parallel_loop3A = arith.constant 0 : i32
      %parallel_loop3A_77 = arith.constant 4096 : i32
      %parallel_loop3A_78 = arith.constant 16 : i32
      scf.for %parallel_loop3A_123 = %parallel_loop3A to %parallel_loop3A_77 step %parallel_loop3A_78  : i32 {
        %parallel_loop3A_124 = arith.index_cast %parallel_loop3A_123 : i32 to index
        %parallel_loop3A_125 = tpu.vector_load %arg6[%parallel_loop3A_124] {strides = array<i32>} : memref<4096xi32, #tpu.memory_space<vmem>>, vector<16xi32>,
        %parallel_loop3A_126 = tpu.vector_load_idx %arg5[%parallel_loop3A_125] : memref<100000xf32, #tpu.memory_space<vmem>>[vector<16xi32>], vector<16xf32>,
        %parallel_loop3A_127 = arith.index_cast %parallel_loop3A_123 : i32 to index
        %parallel_loop3A_128 = tpu.vector_load %arg8[%parallel_loop3A_127] {strides = array<i32>} : memref<4096xf32, #tpu.memory_space<vmem>>, vector<16xf32>,
        tpu.vector_store %arg8[%parallel_loop3A_127], %parallel_loop3A_126 {strides = array<i32>} : memref<4096xf32, #tpu.memory_space<vmem>>, vector<16xf32>,
      } {sc.loop_unroll_factor = 16 : i64, sc.parallel_access}
      %dma_start3A_79 = arith.constant 0 : i32
      %dma_start3A_80 = tpu.memref_slice %arg4[%add3A_62, %add3A_22, %dma_start3A_79] : memref<50x64x4096xf32, #tpu.memory_space<hbm>> -> memref<1x1x4096xf32, #tpu.memory_space<hbm>>
      %dma_start3A_81 = tpu.memref_squeeze %dma_start3A_80 : memref<1x1x4096xf32, #tpu.memory_space<hbm>> -> memref<4096xf32, #tpu.memory_space<hbm>>
      %dma_start3A_82 = arith.constant 0 : i32
      %dma_start3A_83 = tpu.memref_slice %arg4[%add3A_62, %add3A_22, %dma_start3A_82] : memref<50x64x4096xf32, #tpu.memory_space<hbm>> -> memref<1x1x4096xf32, #tpu.memory_space<hbm>>
      %dma_start3A_84 = tpu.memref_squeeze %dma_start3A_83 : memref<1x1x4096xf32, #tpu.memory_space<hbm>> -> memref<4096xf32, #tpu.memory_space<hbm>>
      tpu.enqueue_dma source(%arg8 : memref<4096xf32, #tpu.memory_space<vmem>>) target(%dma_start3A_84 : memref<4096xf32, #tpu.memory_space<hbm>>) target_semaphore(%arg12 : memref<!tpu.dma_semaphore, #tpu.memory_space<semaphore_mem>>)
      %add3A_85 = arith.constant 2 : i32
      %add3A_86 = arith.addi %add3A_62, %add3A_85 : i32
      %lt3A = arith.constant 50 : i32
      %lt3A_87 = arith.cmpi slt, %add3A_86, %lt3A : i32
      %convert_element_type3A = arith.extui %lt3A_87 : i1 to i32
      %cond3A = arith.constant 0 : i32
      %cond3A_88 = arith.cmpi ne, %convert_element_type3A, %cond3A : i32
      scf.if %cond3A_88 {
        %add3A_123 = arith.constant 2 : i32
        %add3A_124 = arith.addi %add3A_62, %add3A_123 : i32
        %dma_start3A_125 = arith.constant 0 : i32
        %dma_start3A_126 = tpu.memref_slice %arg2[%add3A_124, %dma_start3A_125] : memref<50x4096xi32, #tpu.memory_space<hbm>> -> memref<1x4096xi32, #tpu.memory_space<hbm>>
        %dma_start3A_127 = tpu.memref_squeeze %dma_start3A_126 : memref<1x4096xi32, #tpu.memory_space<hbm>> -> memref<4096xi32, #tpu.memory_space<hbm>>
        %dma_start3A_128 = arith.constant 0 : i32
        %dma_start3A_129 = tpu.memref_slice %arg2[%add3A_124, %dma_start3A_128] : memref<50x4096xi32, #tpu.memory_space<hbm>> -> memref<1x4096xi32, #tpu.memory_space<hbm>>
        %dma_start3A_130 = tpu.memref_squeeze %dma_start3A_129 : memref<1x4096xi32, #tpu.memory_space<hbm>> -> memref<4096xi32, #tpu.memory_space<hbm>>
        tpu.enqueue_dma source(%dma_start3A_130 : memref<4096xi32, #tpu.memory_space<hbm>>) target(%arg6 : memref<4096xi32, #tpu.memory_space<vmem>>) target_semaphore(%arg10 : memref<!tpu.dma_semaphore, #tpu.memory_space<semaphore_mem>>)
      } else {
      }
      %mul3A_89 = arith.constant 2 : i32
      %mul3A_90 = arith.muli %scan3A_58, %mul3A_89 : i32
      %add3A_91 = arith.constant 1 : i32
      %add3A_92 = arith.addi %mul3A_90, %add3A_91 : i32
      %dma_wait3A_93 = arith.constant 0 : i32
      %dma_wait3A_94 = tpu.memref_slice %arg2[%add3A_92, %dma_wait3A_93] : memref<50x4096xi32, #tpu.memory_space<hbm>> -> memref<1x4096xi32, #tpu.memory_space<hbm>>
      %dma_wait3A_95 = tpu.memref_squeeze %dma_wait3A_94 : memref<1x4096xi32, #tpu.memory_space<hbm>> -> memref<4096xi32, #tpu.memory_space<hbm>>
      %dma_wait3A_96 = arith.constant 0 : i32
      %dma_wait3A_97 = tpu.memref_slice %arg2[%add3A_92, %dma_wait3A_96] : memref<50x4096xi32, #tpu.memory_space<hbm>> -> memref<1x4096xi32, #tpu.memory_space<hbm>>
      %dma_wait3A_98 = tpu.memref_squeeze %dma_wait3A_97 : memref<1x4096xi32, #tpu.memory_space<hbm>> -> memref<4096xi32, #tpu.memory_space<hbm>>
      tpu.wait_dma2 semaphore(%arg11 : memref<!tpu.dma_semaphore, #tpu.memory_space<semaphore_mem>>) src(%dma_wait3A_98 : memref<4096xi32, #tpu.memory_space<hbm>>) dst(%arg7 : memref<4096xi32, #tpu.memory_space<vmem>>)
      %dma_wait3A_99 = arith.constant 0 : i32
      %dma_wait3A_100 = arith.constant 0 : i32
      %dma_wait3A_101 = arith.constant 0 : i32
      %dma_wait3A_102 = tpu.memref_slice %arg4[%dma_wait3A_99, %dma_wait3A_100, %dma_wait3A_101] : memref<50x64x4096xf32, #tpu.memory_space<hbm>> -> memref<1x1x4096xf32, #tpu.memory_space<hbm>>
      %dma_wait3A_103 = tpu.memref_squeeze %dma_wait3A_102 : memref<1x1x4096xf32, #tpu.memory_space<hbm>> -> memref<4096xf32, #tpu.memory_space<hbm>>
      %dma_wait3A_104 = arith.constant 0 : i32
      %dma_wait3A_105 = tpu.memref_slice %arg4[%dma_wait3A_99, %dma_wait3A_100, %dma_wait3A_104] : memref<50x64x4096xf32, #tpu.memory_space<hbm>> -> memref<1x1x4096xf32, #tpu.memory_space<hbm>>
      %dma_wait3A_106 = tpu.memref_squeeze %dma_wait3A_105 : memref<1x1x4096xf32, #tpu.memory_space<hbm>> -> memref<4096xf32, #tpu.memory_space<hbm>>
      tpu.wait_dma2 semaphore(%arg13 : memref<!tpu.dma_semaphore, #tpu.memory_space<semaphore_mem>>) src(%arg9 : memref<4096xf32, #tpu.memory_space<vmem>>) dst(%dma_wait3A_106 : memref<4096xf32, #tpu.memory_space<hbm>>)
      %parallel_loop3A_107 = arith.constant 0 : i32
      %parallel_loop3A_108 = arith.constant 4096 : i32
      %parallel_loop3A_109 = arith.constant 16 : i32
      scf.for %parallel_loop3A_123 = %parallel_loop3A_107 to %parallel_loop3A_108 step %parallel_loop3A_109  : i32 {
        %parallel_loop3A_124 = arith.index_cast %parallel_loop3A_123 : i32 to index
        %parallel_loop3A_125 = tpu.vector_load %arg7[%parallel_loop3A_124] {strides = array<i32>} : memref<4096xi32, #tpu.memory_space<vmem>>, vector<16xi32>,
        %parallel_loop3A_126 = tpu.vector_load_idx %arg5[%parallel_loop3A_125] : memref<100000xf32, #tpu.memory_space<vmem>>[vector<16xi32>], vector<16xf32>,
        %parallel_loop3A_127 = arith.index_cast %parallel_loop3A_123 : i32 to index
        %parallel_loop3A_128 = tpu.vector_load %arg9[%parallel_loop3A_127] {strides = array<i32>} : memref<4096xf32, #tpu.memory_space<vmem>>, vector<16xf32>,
        tpu.vector_store %arg9[%parallel_loop3A_127], %parallel_loop3A_126 {strides = array<i32>} : memref<4096xf32, #tpu.memory_space<vmem>>, vector<16xf32>,
      } {sc.loop_unroll_factor = 16 : i64, sc.parallel_access}
      %dma_start3A_110 = arith.constant 0 : i32
      %dma_start3A_111 = tpu.memref_slice %arg4[%add3A_92, %add3A_22, %dma_start3A_110] : memref<50x64x4096xf32, #tpu.memory_space<hbm>> -> memref<1x1x4096xf32, #tpu.memory_space<hbm>>
      %dma_start3A_112 = tpu.memref_squeeze %dma_start3A_111 : memref<1x1x4096xf32, #tpu.memory_space<hbm>> -> memref<4096xf32, #tpu.memory_space<hbm>>
      %dma_start3A_113 = arith.constant 0 : i32
      %dma_start3A_114 = tpu.memref_slice %arg4[%add3A_92, %add3A_22, %dma_start3A_113] : memref<50x64x4096xf32, #tpu.memory_space<hbm>> -> memref<1x1x4096xf32, #tpu.memory_space<hbm>>
      %dma_start3A_115 = tpu.memref_squeeze %dma_start3A_114 : memref<1x1x4096xf32, #tpu.memory_space<hbm>> -> memref<4096xf32, #tpu.memory_space<hbm>>
      tpu.enqueue_dma source(%arg9 : memref<4096xf32, #tpu.memory_space<vmem>>) target(%dma_start3A_115 : memref<4096xf32, #tpu.memory_space<hbm>>) target_semaphore(%arg13 : memref<!tpu.dma_semaphore, #tpu.memory_space<semaphore_mem>>)
      %add3A_116 = arith.constant 2 : i32
      %add3A_117 = arith.addi %add3A_92, %add3A_116 : i32
      %lt3A_118 = arith.constant 50 : i32
      %lt3A_119 = arith.cmpi slt, %add3A_117, %lt3A_118 : i32
      %convert_element_type3A_120 = arith.extui %lt3A_119 : i1 to i32
      %cond3A_121 = arith.constant 0 : i32
      %cond3A_122 = arith.cmpi ne, %convert_element_type3A_120, %cond3A_121 : i32
      scf.if %cond3A_122 {
        %add3A_123 = arith.constant 2 : i32
        %add3A_124 = arith.addi %add3A_92, %add3A_123 : i32
        %dma_start3A_125 = arith.constant 0 : i32
        %dma_start3A_126 = tpu.memref_slice %arg2[%add3A_124, %dma_start3A_125] : memref<50x4096xi32, #tpu.memory_space<hbm>> -> memref<1x4096xi32, #tpu.memory_space<hbm>>
        %dma_start3A_127 = tpu.memref_squeeze %dma_start3A_126 : memref<1x4096xi32, #tpu.memory_space<hbm>> -> memref<4096xi32, #tpu.memory_space<hbm>>
        %dma_start3A_128 = arith.constant 0 : i32
        %dma_start3A_129 = tpu.memref_slice %arg2[%add3A_124, %dma_start3A_128] : memref<50x4096xi32, #tpu.memory_space<hbm>> -> memref<1x4096xi32, #tpu.memory_space<hbm>>
        %dma_start3A_130 = tpu.memref_squeeze %dma_start3A_129 : memref<1x4096xi32, #tpu.memory_space<hbm>> -> memref<4096xi32, #tpu.memory_space<hbm>>
        tpu.enqueue_dma source(%dma_start3A_130 : memref<4096xi32, #tpu.memory_space<hbm>>) target(%arg7 : memref<4096xi32, #tpu.memory_space<vmem>>) target_semaphore(%arg11 : memref<!tpu.dma_semaphore, #tpu.memory_space<semaphore_mem>>)
      } else {
      }
    }
    %scan3A_42 = arith.constant 25 : i32
    %dma_wait3A = arith.constant 0 : i32
    %dma_wait3A_43 = arith.constant 0 : i32
    %dma_wait3A_44 = arith.constant 0 : i32
    %dma_wait3A_45 = tpu.memref_slice %arg4[%dma_wait3A, %dma_wait3A_43, %dma_wait3A_44] : memref<50x64x4096xf32, #tpu.memory_space<hbm>> -> memref<1x1x4096xf32, #tpu.memory_space<hbm>>
    %dma_wait3A_46 = tpu.memref_squeeze %dma_wait3A_45 : memref<1x1x4096xf32, #tpu.memory_space<hbm>> -> memref<4096xf32, #tpu.memory_space<hbm>>
    %dma_wait3A_47 = arith.constant 0 : i32
    %dma_wait3A_48 = tpu.memref_slice %arg4[%dma_wait3A, %dma_wait3A_43, %dma_wait3A_47] : memref<50x64x4096xf32, #tpu.memory_space<hbm>> -> memref<1x1x4096xf32, #tpu.memory_space<hbm>>
    %dma_wait3A_49 = tpu.memref_squeeze %dma_wait3A_48 : memref<1x1x4096xf32, #tpu.memory_space<hbm>> -> memref<4096xf32, #tpu.memory_space<hbm>>
    tpu.wait_dma2 semaphore(%arg12 : memref<!tpu.dma_semaphore, #tpu.memory_space<semaphore_mem>>) src(%arg8 : memref<4096xf32, #tpu.memory_space<vmem>>) dst(%dma_wait3A_49 : memref<4096xf32, #tpu.memory_space<hbm>>)
    %dma_wait3A_50 = arith.constant 0 : i32
    %dma_wait3A_51 = arith.constant 0 : i32
    %dma_wait3A_52 = arith.constant 0 : i32
    %dma_wait3A_53 = tpu.memref_slice %arg4[%dma_wait3A_50, %dma_wait3A_51, %dma_wait3A_52] : memref<50x64x4096xf32, #tpu.memory_space<hbm>> -> memref<1x1x4096xf32, #tpu.memory_space<hbm>>
    %dma_wait3A_54 = tpu.memref_squeeze %dma_wait3A_53 : memref<1x1x4096xf32, #tpu.memory_space<hbm>> -> memref<4096xf32, #tpu.memory_space<hbm>>
    %dma_wait3A_55 = arith.constant 0 : i32
    %dma_wait3A_56 = tpu.memref_slice %arg4[%dma_wait3A_50, %dma_wait3A_51, %dma_wait3A_55] : memref<50x64x4096xf32, #tpu.memory_space<hbm>> -> memref<1x1x4096xf32, #tpu.memory_space<hbm>>
    %dma_wait3A_57 = tpu.memref_squeeze %dma_wait3A_56 : memref<1x1x4096xf32, #tpu.memory_space<hbm>> -> memref<4096xf32, #tpu.memory_space<hbm>>
    tpu.wait_dma2 semaphore(%arg13 : memref<!tpu.dma_semaphore, #tpu.memory_space<semaphore_mem>>) src(%arg9 : memref<4096xf32, #tpu.memory_space<vmem>>) dst(%dma_wait3A_57 : memref<4096xf32, #tpu.memory_space<hbm>>)
    return
  }
}

</mosaic_0001>

<sc_bundles>
// kernel: kernel.3.cloned.1.call-start
scs
__scs_entry_jumppad:
0x0: {  	(pc) =	sbr.rel $0x88, $3  }
0x1: {  	(tag) =	ssettag $0x0;
	lr =	simm.s32 $0x1  }
0x2: {  	[smem:$0x3F9F] =	sst lr;
	_ =	strace $0xD0000000  }
0x3: {  	_ = 	snop  }
0x4: {  	_ = 	snop  }
0x5: {  	_ = 	snop  }
0x6: {  	_ = 	snop  }
0x7: {  	_ = 	snop  }
__scs_overlays_trampoline_lowered:
0x8: {  	[smem:$0x3FAE] =	sst s0  }
0x9: {  	[smem:$0x3FAF] =	sst s1  }
0xa: {  	[smem:$0x3FB0] =	sst s2  }
0xb: {  	[smem:$0x3FB1] =	sst s3  }
0xc: {  	[smem:$0x3FB2] =	sst s4  }
0xd: {  	[smem:$0x3FB3] =	sst s5  }
0xe: {  	[smem:$0x3FB4] =	sst s6  }
0xf: {  	[smem:$0x3FB5] =	sst s7  }
0x10: {  	[smem:$0x3FB6] =	sst s8  }
0x11: {  	[smem:$0x3FB7] =	sst s9;
	s0 =	simm.s32 @!p0 $0x0  }
0x12: {  	s1 =	sld [smem:$0x3F9D];
	s0 =	simm.s32 @p0 $0x1  }
0x13: {  	[smem:$0x3FB8] =	sst s0;
	s0 =	simm.s32 @!p1 $0x0  }
0x14: {  	s2 =	sld [smem:$0x3F9C];
	s0 =	simm.s32 @p1 $0x1  }
0x15: {  	[smem:$0x3FB9] =	sst s0;
	s0 =	simm.s32 @!p2 $0x0  }
0x16: {  	s3 =	sld [smem:$0x3FDB];
	s0 =	simm.s32 @p2 $0x1  }
0x17: {  	s4 =	simm.s32 $0x1BF5;
	[smem:$0x3FBB] =	sst s0  }
0x18: {  	s0 =	sld [smem:$0x3F9E];
	_ =	swait.ge [sflag:s4], $0x0  }
0x19: {  	s7 =	sld [smem:$0x3F9F]  }
0x1a: {  	s8 =	sadd.s32 $0xFFFFE003, lr  }
0x1b: {  	s9 =	sadd.s32 $0xFFFFFEF7, lr;
	s5 =	simm.s32 $0xFFFFFFFF;
	p2 =	slt.u32 s8, $0xFFFFF086  }
0x1c: {  	p1 =	slt.u32 s9, $0xF7A;
	s5 =	simm.s32 @!p2 $0x0  }
0x1d: {  	s5 =	simm.s32 @p1 $0x1;
	p0 =	seq.s32 s7, s2  }
0x1e: {  	s7 =	smul.u32 @!p0 $0xF7A, s2;
	p2 =	seq.s32 @!p0 s5, $0x0  }
0x1f: {  	s9 =	smul.u32 $0xF7A, s1;
	s8 =	simm.s32 @!p0 $0x1BF5;
	p2 =	por !p2, p0  }
0x20: {  	[sflag:s8] =	ssyncset.s32 @!p0 $0xFFFFF086;
	s6 =	sadd.s32 @!p0 s3, s7;
	s7 =	simm.s32 @!p0 $0x108  }
0x21: {  	s3 =	sadd.s32 s3, s9;
	s6 =	sadd.s32 @!p0 $0x88, s6;
	s7 =	simm.s32 @p2 $0x1082  }
0x22: {  	[simem:s7], [sflag:s8] =	dma.local @!p0 [hbm:s6], $0xF7A  }
0x23: {  	s9 =	sor.u32 $0xD0000000, s2;
	s6 =	simm.s32 $0x108;
	_ =	swait.ge @!p0 [sflag:s8], $0x0  }
0x24: {  	s3 =	sadd.s32 $0x88, s3;
	s6 =	simm.s32 @!p1 $0x1082;
	[sflag:s4] =	ssyncset.s32 $0xFFFFF086  }
0x25: {  	[simem:s6], [sflag:s4] =	dma.local [hbm:s3], $0xF7A  }
0x26: {  	[smem:$0x3F9F] =	sst s1;
	(tag) =	ssettag s2;
	_ =	strace s9  }
0x27: {  	s1 =	sld [smem:$0x3FAF]  }
0x28: {  	s2 =	sld [smem:$0x3FB0]  }
0x29: {  	s4 =	sld [smem:$0x3FB2]  }
0x2a: {  	p0 =	seq.s32 s5, $0x0;
	s5 =	sld [smem:$0x3FB3]  }
0x2b: {  	s6 =	sld [smem:$0x3FB4]  }
0x2c: {  	s7 =	sld [smem:$0x3FB5]  }
0x2d: {  	s3 =	simm.s32 $0x108;
	s8 =	sld [smem:$0x3FB6]  }
0x2e: {  	s3 =	simm.s32 @!p0 $0x1082;
	s9 =	sld [smem:$0x3FB7]  }
0x2f: {  	lr =	sadd.s32 s0, s3;
	s0 =	sld [smem:$0x3FAE]  }
0x30: {  	s3 =	sld [smem:$0x3FB1]  }
0x31: {  	[smem:$0x3FBA] =	sst s10  }
0x32: {  	s10 =	sld [smem:$0x3FB8];
	_ =	sdelay $0x3  }
0x33: {  	p0 =	seq.s32 s10, $0x1;
	s10 =	sld [smem:$0x3FBA];
	_ =	sdelay $0x3  }
0x34: {  	[smem:$0x3FBA] =	sst s10  }
0x35: {  	s10 =	sld [smem:$0x3FB9];
	_ =	sdelay $0x3  }
0x36: {  	p1 =	seq.s32 s10, $0x1;
	s10 =	sld [smem:$0x3FBA];
	_ =	sdelay $0x3  }
0x37: {  	[smem:$0x3FBA] =	sst s10  }
0x38: {  	s10 =	sld [smem:$0x3FBB]  }
0x39: {  	_ = 	snop;
	(pc) =	sbr.ind lr, $3  }
0x3a: {  	_ = 	snop  }
0x3b: {  	_ = 	snop  }
0x3c: {  	p2 =	seq.s32 s10, $0x1;
	s10 =	sld [smem:$0x3FBA]  }
0x3d: {  	_ =	shalt  }
0x3e: {  	_ =	shalt  }
0x3f: {  	_ =	shalt  }
0x40: {  	_ =	shalt  }
0x41: {  	_ =	shalt  }
0x42: {  	_ =	shalt  }
0x43: {  	_ =	shalt  }
0x44: {  	_ =	shalt  }
0x45: {  	_ =	shalt  }
0x46: {  	_ =	shalt  }
0x47: {  	_ =	shalt  }
0x48: {  	_ =	shalt  }
0x49: {  	_ =	shalt  }
0x4a: {  	_ =	shalt  }
0x4b: {  	_ =	shalt  }
0x4c: {  	_ =	shalt  }
0x4d: {  	_ =	shalt  }
0x4e: {  	_ =	shalt  }
0x4f: {  	_ =	shalt  }
0x50: {  	_ =	shalt  }
0x51: {  	_ =	shalt  }
0x52: {  	_ =	shalt  }
0x53: {  	_ =	shalt  }
0x54: {  	_ =	shalt  }
0x55: {  	_ =	shalt  }
0x56: {  	_ =	shalt  }
0x57: {  	_ =	shalt  }
0x58: {  	_ =	shalt  }
0x59: {  	_ =	shalt  }
0x5a: {  	_ =	shalt  }
0x5b: {  	_ =	shalt  }
0x5c: {  	_ =	shalt  }
0x5d: {  	_ =	shalt  }
0x5e: {  	_ =	shalt  }
0x5f: {  	_ =	shalt  }
0x60: {  	_ =	shalt  }
0x61: {  	_ =	shalt  }
0x62: {  	_ =	shalt  }
0x63: {  	_ =	shalt  }
0x64: {  	_ =	shalt  }
0x65: {  	_ =	shalt  }
0x66: {  	_ =	shalt  }
0x67: {  	_ =	shalt  }
0x68: {  	_ =	shalt  }
0x69: {  	_ =	shalt  }
0x6a: {  	_ =	shalt  }
0x6b: {  	_ =	shalt  }
0x6c: {  	_ =	shalt  }
0x6d: {  	_ =	shalt  }
0x6e: {  	_ =	shalt  }
0x6f: {  	_ =	shalt  }
0x70: {  	_ =	shalt  }
0x71: {  	_ =	shalt  }
0x72: {  	_ =	shalt  }
0x73: {  	_ =	shalt  }
0x74: {  	_ =	shalt  }
0x75: {  	_ =	shalt  }
0x76: {  	_ =	shalt  }
0x77: {  	_ =	shalt  }
0x78: {  	_ =	shalt  }
0x79: {  	_ =	shalt  }
0x7a: {  	_ =	shalt  }
0x7b: {  	_ =	shalt  }
0x7c: {  	_ =	shalt  }
0x7d: {  	_ =	shalt  }
0x7e: {  	_ =	shalt  }
0x7f: {  	_ =	shalt  }
0x80: {  	_ =	shalt  }
0x81: {  	_ =	shalt  }
0x82: {  	_ =	shalt  }
0x83: {  	_ =	shalt  }
0x84: {  	_ =	shalt  }
0x85: {  	_ =	shalt  }
0x86: {  	_ =	shalt  }
0x87: {  	_ =	shalt  }
.Lfunc_end0:
.L_simem_size_0:
called_computation_lowered:
.L_overlay_start_0:
0x88: {  	s2 =	sld [smem:$0x3FD9]  }
0x89: {  	s3 =	sld [smem:$0x3FFE];
	_ =	sdelay $0x1  }
0x8a: {  	s1 =	srdreg.scid  }
0x8b: {  	s0 =	sand.u32 $0x1, s1  }
0x8c: {  	s18 =	sshll.u32 s0, $0xA;
	s2 =	sadd.s32 s3, s2  }
0x8d: {  	s2 =	sadd.s32 s2, s18  }
0x8e: {  	[smem:$0x3FC6] =	sst s2  }
0x8f: {  	_ = 	snop  }
0x90: {  	s2 =	sld [smem:$0x3FC9]  }
0x91: {  	s19 =	sld [smem:$0x3FC8]  }
0x92: {  	s4 =	sld [smem:$0x3FD0];
	(tm) =	ssettm $0x1  }
0x93: {  	s5 =	sld [smem:$0x3FFB];
	_ =	sdelay $0x3  }
0x94: {  	_ =	strace s5  }
0x95: {  	s5 =	sld [smem:$0x3FFC];
	_ =	sdelay $0x3  }
0x96: {  	_ =	strace s5  }
0x97: {  	s5 =	sld [smem:$0x3FFD];
	_ =	sdelay $0x3  }
0x98: {  	_ =	strace s5  }
0x99: {  	_ =	strace $0x8FFFFFFF  }
0x9a: {  	s20 =	sld [smem:$0x3FDB];
	_ =	sdelay $0x1  }
0x9b: {  	s6 =	simm.s32 $_scs_section_size  }
0x9c: {  	s7 =	simm.s32 $_size__tile_overlayer_lowered;
	s8 =	simm.s32 $_tile_overlayer_lowered  }
0x9d: {  	s23 =	simm.s32 $0x1BFF;
	s22 =	sshll.u32 s8, $0x1;
	s5 =	sadd.s32 s6, s20  }
0x9e: {  	s9 =	simm.s32 $0x0;
	s21 =	sshll.u32 s7, $0x1;
	s7 =	sadd.s32 s22, s5  }
0x9f: {  	[timem:s9], [sflag:s23] =	dma.local [hbm:s7], s21  }
0xa0: {  	_ =	swait.ge [sflag:s23], s21  }
0xa1: {  	s6 =	ssub.s32 $0x0, s21;
	[sflag:s23] =	ssyncset.done $0x0  }
0xa2: {  	[sflag:s23] =	ssyncadd.s32 s6;
	_ =	sdelay $0x1  }
0xa3: {  	s24 =	simm.s32 $0x1B8B  }
0xa4: {  	_ =	swait.ge [sflag:s24], $0x1  }
0xa5: {  	[sflag:s24] =	ssyncset.done $0x0  }
0xa6: {  	s25 =	simm.s32 $0x1B8E;
	[sflag:s24] =	ssyncadd.s32 $0xFFFFFFFF  }
0xa7: {  	s26 =	simm.s32 $execute0_lowered;
	[smem:$0x3FD2] =	sst s25  }
0xa8: {  	s6 =	sshll.u32 s26, $0x1;
	_ =	strace $0x80000046;
	[dreg:$0x1] =	wrdreg $0xFFFFFFFF  }
0xa9: {  	s28 =	simm.s32 $_size_execute0_lowered;
	s5 =	sadd.s32 s5, s6;
	[dreg:$0x0] =	wrdreg $0x0  }
0xaa: {  	s6 =	sshll.u32 s28, $0x1;
	[dreg:$0x2] =	wrdreg s5  }
0xab: {  	[dreg:$0x3] =	wrdreg s6  }
0xac: {  	[dreg:$0x4] =	wrdreg $0xC0  }
0xad: {  	_ =	task [dreg:s9], $0x5FFFF  }
0xae: {  	[dreg:$0x1] =	wrdreg $0xFFFFFFFF  }
0xaf: {  	[dreg:$0x0] =	wrdreg $0x60  }
0xb0: {  	[dreg:$0x2] =	wrdreg s2  }
0xb1: {  	[dreg:$0x3] =	wrdreg s19  }
0xb2: {  	[dreg:$0x4] =	wrdreg s4  }
0xb3: {  	[dreg:$0x5] =	wrdreg $0x9  }
0xb4: {  	_ =	task.clear_ibuf [dreg:s9], $0x6FFFF;
	_ =	strace $0x90000046  }
0xb5: {  	s29 =	simm.s32 $0x9;
	_ =	strace $0x80000048  }
0xb6: {  	_ =	swait.ge [sflag:s29], $0x1  }
0xb7: {  	[sflag:s29] =	ssyncadd.s32 $0xFFFFFFFF  }
0xb8: {  	_ =	strace $0x90000048  }
0xb9: {  	_ =	sfence  }
0xba: {  	s30 =	sld [smem:$0x0];
	_ =	sdelay $0x2  }
0xbb: {  	s31 =	sshll.u32 s1, $0xD;
	s1 =	sshrl.u32 s1, $0x2  }
0xbc: {  	s3 =	sand.u32 $0x4000, s31;
	s1 =	sadd.s32 s1, s30  }
0xbd: {  	s0 =	sor.u32 s3, s0;
	s1 =	sshll.u32 s1, $0x11  }
0xbe: {  	s0 =	sor.u32 s1, s0  }
0xbf: {  	s0 =	sadd.s32 $0x8F2B, s0  }
0xc0: {  	[sflag:s0] =	ssyncadd.remote.s32 $0x1  }
0xc1: {  	_ =	sfence.sel $0xFFFF  }
0xc2: {  	[dreg:$0x0] =	wrdreg $0xFFFFFFFF;
	(pc) =	sbr.abs _section_cstart, $3  }
0xc3: {  	[dreg:$0x1] =	wrdreg $0xFFFFFFFF  }
0xc4: {  	_ =	task.clear_ibuf [dreg:s9], $0x2FFFF;
	_ =	strace $0x9FFFFFFF  }
0xc5: {  	(tm) =	ssettm $0x7FFFFFFF  }
tec
execute0_lowered:
.L_overlay_start_1:
0x0: {  	(tag) =	ssettag $0x1  }
0x1: {  	s1 =	rddreg [dreg:$0x0]  }
0x2: {  	s10 =	rddreg [dreg:$0x1]  }
0x3: {  	s2 =	rddreg [dreg:$0x2];
	s4 =	simm.s32 $0x0;
	s5 =	srdreg.scid  }
0x4: {  	s3 =	stileid.u32;
	s14 =	simm.s32 $0x400;
	s15 =	simm.s32 $0x5  }
0x5: {  	s16 =	simm.s32 $0x18700;
	s17 =	simm.s32 $0x19700;
	s18 =	simm.s32 $0x1  }
0x6: {  	s19 =	simm.s32 $0x1A700;
	s20 =	simm.s32 $0x2;
	s21 =	simm.s32 $0x4  }
0x7: {  	s22 =	simm.s32 $0x1B700;
	s23 =	simm.s32 $0x3;
	s24 =	simm.s32 $0x0  }
0x8: {  	[smem:$0x7FF] =	sst s4;
	s5 =	sand.u32 $0x1, s5;
	s6 =	sshll.u32 s3, $0x8  }
0x9: {  	s8 =	sshrl.u32 s3, $0x2;
	s7 =	sshll.u32 s5, $0x7;
	s6 =	sand.u32 $0x300, s6  }
0xa: {  	s9 =	smul.u32 $0xC3800, s8;
	s11 =	ssub.s32 $0x2, s5;
	s12 =	sor.u32 $0x4, s8  }
0xb: {  	_ =	strace $0x80000047;
	s8 =	sshll.u32 s8, $0xF;
	s29 =	smul.u32 $0xC3800, s12  }
.Ltmp0:
0xc: {  	s5 =	sor.u32 s7, s6;
	s28 =	sshrl.u32 s11, $0x1;
	(pc) =	sbr.rel .LBB2_1-.Ltmp0, $4  }
0xd: {  	s7 =	sor.u32 s9, s5;
	s13 =	ssub.s32 s11, s28;
	s31 =	sor.u32 s5, s29  }
0xe: {  	s9 =	sadd.s32 $0x8000, s2;
	s30 =	sshrl.u32 s7, $0x3;
	s11 =	sshrl.u32 s31, $0x3  }
0xf: {  	s7 =	sadd.s32 $0x10, s1;
	s6 =	sadd.s32 s10, s30;
	s10 =	sadd.s32 s10, s11  }
0x10: {  	s11 =	sshll.u32 s12, $0xF;
	s12 =	smax.u32 s13, $0x1;
	s13 =	simm.s32 $0x80  }
.LBB2_19:
0x11: {  	s24 =	sadd.s32 $0x1, s24  }
0x12: {  	_ =	swait.ge [sflag:s23], $0x1000;
	p0 =	sne.s32 s24, s12  }
.Ltmp1:
0x13: {  	[sflag:s23] =	ssyncset.done $0x0;
	(pc) =	sbr.rel @!p0 .LBB2_20-.Ltmp1, $4  }
0x14: {  	[sflag:s23] =	ssyncadd.s32 $0xFFFFF000  }
0x15: {  	_ =	swait.ge [sflag:s21], $0x1000  }
0x16: {  	[sflag:s21] =	ssyncset.done $0x0  }
0x17: {  	[sflag:s21] =	ssyncadd.s32 $0xFFFFF000  }
.LBB2_1:
0x18: {  	[tilespmem:s4], [sflag:$0x5] =	stream.strided.gather [hbm4b:s6+s13], $0x18700, s14, s13, $0x38;
	[tilespmem:$0x1C700] =	vst v63  }
0x19: {  	_ =	swait.ge [sflag:s15], $0x18700  }
0x1a: {  	[sflag:s15] =	ssyncset.done $0x0  }
0x1b: {  	[sflag:s15] =	ssyncadd.s32 $0xFFFE7900  }
0x1c: {  	[tilespmem:s16], [sflag:$0x1] =	stream.strided.gather [hbm4b:s1+s13], $0x1000, s14, s13, $0x38;
	[tilespmem:$0x1C700] =	vst v63  }
0x1d: {  	s25 =	simm.s32 $0x0  }
0x1e: {  	[tilespmem:s17], [sflag:$0x2] =	stream.strided.gather [hbm4b:s7+s13], $0x1000, s14, s13, $0x38;
	[tilespmem:$0x1C700] =	vst v63  }
.LBB2_2:
0x1f: {  	_ =	swait.ge [sflag:s18], $0x1000  }
0x20: {  	p0 =	seq.s32 s25, $0x0;
	[sflag:s18] =	ssyncset.done $0x0  }
0x21: {  	s26 =	simm.s32 @!p0 $0x3;
	[sflag:s18] =	ssyncadd.s32 $0xFFFFF000  }
0x22: {  	_ =	swait.ge @!p0 [sflag:s26], $0x1000  }
0x23: {  	[sflag:s26] =	ssyncset.done @!p0 $0x0  }
0x24: {  	s31 =	simm.s32 $0x18780;
	[sflag:s26] =	ssyncadd.s32 @!p0 $0xFFFFF000  }
0x25: {  	v0 =	vld [tilespmem:s31+$0x70]  }
0x26: {  	v1 =	vld [tilespmem:s31+$0xFFFFFF90]  }
0x27: {  	v2 =	vld [tilespmem:s31+$0xFFFFFFA0]  }
0x28: {  	v3 =	vld [tilespmem:s31+$0xFFFFFFB0]  }
0x29: {  	v4 =	vld [tilespmem:s31+$0xFFFFFFC0]  }
0x2a: {  	v5 =	vld [tilespmem:s31+$0xFFFFFFD0]  }
0x2b: {  	v6 =	vld [tilespmem:s31+$0xFFFFFFE0]  }
0x2c: {  	v7 =	vld [tilespmem:s31+$0xFFFFFFF0]  }
0x2d: {  	v8 =	vld [tilespmem:s31+$0x0]  }
0x2e: {  	v9 =	vld [tilespmem:s31+$0x10]  }
0x2f: {  	v10 =	vld [tilespmem:s31+$0x20]  }
0x30: {  	v11 =	vld [tilespmem:s31+$0x30]  }
0x31: {  	v12 =	vld [tilespmem:s31+$0x40]  }
0x32: {  	v13 =	vld [tilespmem:s31+$0x50]  }
0x33: {  	v14 =	vld [tilespmem:s31+$0x60]  }
0x34: {  	v15 =	vld [tilespmem:s31+$0xFFFFFF80]  }
0x35: {  	v0 =	vld.idx.msk [tilespmem:v0+s4+$0x0], $0xffff  }
0x36: {  	v1 =	vld.idx.msk [tilespmem:v1+s4+$0x0], $0xffff  }
0x37: {  	v2 =	vld.idx.msk [tilespmem:v2+s4+$0x0], $0xffff  }
0x38: {  	v3 =	vld.idx.msk [tilespmem:v3+s4+$0x0], $0xffff  }
0x39: {  	v4 =	vld.idx.msk [tilespmem:v4+s4+$0x0], $0xffff  }
0x3a: {  	s29 =	simm.s32 $0x1A780;
	v5 =	vld.idx.msk [tilespmem:v5+s4+$0x0], $0xffff  }
0x3b: {  	v6 =	vld.idx.msk [tilespmem:v6+s4+$0x0], $0xffff;
	[tilespmem:s29+$0x70] =	vst v0  }
0x3c: {  	v7 =	vld.idx.msk [tilespmem:v7+s4+$0x0], $0xffff;
	[tilespmem:s29+$0xFFFFFF90] =	vst v1  }
0x3d: {  	v15 =	vld.idx.msk [tilespmem:v15+s4+$0x0], $0xffff;
	[tilespmem:s29+$0xFFFFFFA0] =	vst v2  }
0x3e: {  	v8 =	vld.idx.msk [tilespmem:v8+s4+$0x0], $0xffff;
	[tilespmem:s29+$0xFFFFFFB0] =	vst v3  }
0x3f: {  	[tilespmem:s29+$0xFFFFFFC0] =	vst v4;
	v0 =	vld.idx.msk [tilespmem:v9+s4+$0x0], $0xffff  }
0x40: {  	[tilespmem:s29+$0xFFFFFFD0] =	vst v5;
	v1 =	vld.idx.msk [tilespmem:v10+s4+$0x0], $0xffff  }
0x41: {  	[tilespmem:s29+$0xFFFFFFE0] =	vst v6;
	v2 =	vld.idx.msk [tilespmem:v11+s4+$0x0], $0xffff  }
0x42: {  	[tilespmem:s29+$0xFFFFFFF0] =	vst v7;
	v3 =	vld.idx.msk [tilespmem:v12+s4+$0x0], $0xffff  }
0x43: {  	[tilespmem:s29+$0xFFFFFF80] =	vst v15;
	v4 =	vld.idx.msk [tilespmem:v13+s4+$0x0], $0xffff  }
0x44: {  	s28 =	simm.s32 $0x0;
	s30 =	simm.s32 $0x18880;
	s26 =	sshll.u32 s25, $0x1;
	[tilespmem:s29+$0x0] =	vst v8;
	v5 =	vld.idx.msk [tilespmem:v14+s4+$0x0], $0xffff  }
.LBB2_3:
0x45: {  	v6 =	vld [tilespmem:s30+$0x70];
	s28 =	sadd.s32 $0x100, s28;
	[tilespmem:s29+$0x10] =	vst v0  }
0x46: {  	v0 =	vld [tilespmem:s30+$0xFFFFFF90];
	p1 =	slt.u32 s28, $0xF00;
	[tilespmem:s29+$0x20] =	vst v1  }
0x47: {  	v1 =	vld [tilespmem:s30+$0xFFFFFFA0];
	[tilespmem:s29+$0x30] =	vst v2  }
0x48: {  	v2 =	vld [tilespmem:s30+$0xFFFFFFB0];
	[tilespmem:s29+$0x40] =	vst v3  }
0x49: {  	v3 =	vld [tilespmem:s30+$0xFFFFFFC0];
	[tilespmem:s29+$0x50] =	vst v4  }
0x4a: {  	v4 =	vld [tilespmem:s30+$0xFFFFFFD0];
	[tilespmem:s29+$0x60] =	vst v5  }
0x4b: {  	v5 =	vld [tilespmem:s30+$0xFFFFFFE0]  }
0x4c: {  	v7 =	vld [tilespmem:s30+$0xFFFFFFF0]  }
0x4d: {  	v6 =	vld.idx.msk [tilespmem:v6+s4+$0x0], $0xffff  }
0x4e: {  	v8 =	vld [tilespmem:s30+$0x0]  }
0x4f: {  	v9 =	vld [tilespmem:s30+$0x10]  }
0x50: {  	v10 =	vld [tilespmem:s30+$0x20]  }
0x51: {  	v11 =	vld [tilespmem:s30+$0x30]  }
0x52: {  	s29 =	sadd.s32 $0x100, s29;
	v12 =	vld [tilespmem:s30+$0x40]  }
0x53: {  	v13 =	vld [tilespmem:s30+$0x50];
	[tilespmem:s29+$0x70] =	vst v6  }
0x54: {  	v6 =	vld [tilespmem:s30+$0x60]  }
0x55: {  	v14 =	vld [tilespmem:s30+$0xFFFFFF80]  }
0x56: {  	v0 =	vld.idx.msk [tilespmem:v0+s4+$0x0], $0xffff  }
0x57: {  	v1 =	vld.idx.msk [tilespmem:v1+s4+$0x0], $0xffff  }
0x58: {  	v2 =	vld.idx.msk [tilespmem:v2+s4+$0x0], $0xffff  }
0x59: {  	v3 =	vld.idx.msk [tilespmem:v3+s4+$0x0], $0xffff  }
0x5a: {  	v4 =	vld.idx.msk [tilespmem:v4+s4+$0x0], $0xffff  }
0x5b: {  	v5 =	vld.idx.msk [tilespmem:v5+s4+$0x0], $0xffff  }
0x5c: {  	[tilespmem:s29+$0xFFFFFF90] =	vst v0;
	v7 =	vld.idx.msk [tilespmem:v7+s4+$0x0], $0xffff  }
0x5d: {  	v14 =	vld.idx.msk [tilespmem:v14+s4+$0x0], $0xffff;
	[tilespmem:s29+$0xFFFFFFA0] =	vst v1  }
0x5e: {  	[tilespmem:s29+$0xFFFFFFB0] =	vst v2;
	v8 =	vld.idx.msk [tilespmem:v8+s4+$0x0], $0xffff  }
0x5f: {  	[tilespmem:s29+$0xFFFFFFC0] =	vst v3;
	v0 =	vld.idx.msk [tilespmem:v9+s4+$0x0], $0xffff  }
.Ltmp2:
0x60: {  	[tilespmem:s29+$0xFFFFFFD0] =	vst v4;
	v1 =	vld.idx.msk [tilespmem:v10+s4+$0x0], $0xffff;
	(pc) =	sbr.rel @p1 .LBB2_3-.Ltmp2, $4  }
0x61: {  	[tilespmem:s29+$0xFFFFFFE0] =	vst v5;
	v2 =	vld.idx.msk [tilespmem:v11+s4+$0x0], $0xffff  }
0x62: {  	[tilespmem:s29+$0xFFFFFFF0] =	vst v7;
	v3 =	vld.idx.msk [tilespmem:v12+s4+$0x0], $0xffff  }
0x63: {  	[tilespmem:s29+$0xFFFFFF80] =	vst v14;
	v4 =	vld.idx.msk [tilespmem:v13+s4+$0x0], $0xffff  }
0x64: {  	s30 =	sadd.s32 $0x100, s30;
	[tilespmem:s29+$0x0] =	vst v8;
	v5 =	vld.idx.msk [tilespmem:v6+s4+$0x0], $0xffff  }
0x65: {  	[tilespmem:s29+$0x10] =	vst v0  }
0x66: {  	[tilespmem:s29+$0x20] =	vst v1;
	s28 =	sshll.u32 s25, $0x13;
	p1 =	sne.s32 s25, $0x18  }
.Ltmp3:
0x67: {  	[tilespmem:s29+$0x30] =	vst v2;
	s28 =	sor.u32 s28, s8;
	(pc) =	sbr.rel @p1 .LBB2_6-.Ltmp3, $4  }
0x68: {  	[tilespmem:s29+$0x40] =	vst v3;
	s28 =	sor.u32 s5, s28  }
0x69: {  	[tilespmem:s29+$0x50] =	vst v4;
	s28 =	sshrl.u32 s28, $0x3  }
0x6a: {  	[tilespmem:s29+$0x60] =	vst v5;
	s31 =	sadd.s32 s2, s28  }
0x6b: {  	[hbm4b:s31+s13] =	stream.strided.scatter [tilespmem:s19], [sflag:$0x3], $0x1000, s14, s13, $0x38;
	[tilespmem:$0x1C700] =	vst v63  }
.Ltmp4:
0x6c: {  	(pc) =	sbr.rel .LBB2_7-.Ltmp4, $4  }
0x6d: {  	_ = 	snop  }
0x6e: {  	_ =	swait.ge [sflag:s20], $0x1000  }
0x6f: {  	[sflag:s20] =	ssyncset.done $0x0  }
0x70: {  	[sflag:s20] =	ssyncadd.s32 $0xFFFFF000  }
.LBB2_6:
0x71: {  	s29 =	sadd.s32 $0x2, s26  }
0x72: {  	s30 =	sshll.u32 s29, $0x4  }
0x73: {  	s29 =	sshll.u32 s29, $0x9;
	s30 =	sand.u32 $0x60, s30  }
0x74: {  	s29 =	sand.u32 $0xF000, s29;
	s30 =	sadd.s32 s1, s30  }
.Ltmp5:
0x75: {  	s29 =	sadd.s32 s29, s30;
	(pc) =	sbr.rel @p0 .LBB2_8-.Ltmp5, $4  }
0x76: {  	[tilespmem:s16], [sflag:$0x1] =	stream.strided.gather [hbm4b:s29+s13], $0x1000, s14, s13, $0x38;
	[tilespmem:$0x1C700] =	vst v63  }
0x77: {  	_ =	swait.ge [sflag:s20], $0x1000  }
0x78: {  	[sflag:s20] =	ssyncset.done $0x0  }
0x79: {  	[sflag:s20] =	ssyncadd.s32 $0xFFFFF000  }
.LBB2_7:
0x7a: {  	_ =	swait.ge [sflag:s21], $0x1000  }
0x7b: {  	[sflag:s21] =	ssyncset.done $0x0  }
0x7c: {  	[sflag:s21] =	ssyncadd.s32 $0xFFFFF000  }
.LBB2_8:
0x7d: {  	s29 =	simm.s32 $0x19780  }
0x7e: {  	v0 =	vld [tilespmem:s29+$0x70]  }
0x7f: {  	v1 =	vld [tilespmem:s29+$0xFFFFFF90]  }
0x80: {  	v2 =	vld [tilespmem:s29+$0xFFFFFFA0]  }
0x81: {  	v3 =	vld [tilespmem:s29+$0xFFFFFFB0]  }
0x82: {  	v4 =	vld [tilespmem:s29+$0xFFFFFFC0]  }
0x83: {  	v5 =	vld [tilespmem:s29+$0xFFFFFFD0]  }
0x84: {  	v6 =	vld [tilespmem:s29+$0xFFFFFFE0]  }
0x85: {  	v7 =	vld [tilespmem:s29+$0xFFFFFFF0]  }
0x86: {  	v8 =	vld [tilespmem:s29+$0x0]  }
0x87: {  	v9 =	vld [tilespmem:s29+$0x10]  }
0x88: {  	v10 =	vld [tilespmem:s29+$0x20]  }
0x89: {  	v11 =	vld [tilespmem:s29+$0x30]  }
0x8a: {  	v12 =	vld [tilespmem:s29+$0x40]  }
0x8b: {  	v13 =	vld [tilespmem:s29+$0x50]  }
0x8c: {  	v14 =	vld [tilespmem:s29+$0x60]  }
0x8d: {  	v15 =	vld [tilespmem:s29+$0xFFFFFF80]  }
0x8e: {  	v0 =	vld.idx.msk [tilespmem:v0+s4+$0x0], $0xffff  }
0x8f: {  	v1 =	vld.idx.msk [tilespmem:v1+s4+$0x0], $0xffff  }
0x90: {  	v2 =	vld.idx.msk [tilespmem:v2+s4+$0x0], $0xffff  }
0x91: {  	v3 =	vld.idx.msk [tilespmem:v3+s4+$0x0], $0xffff  }
0x92: {  	v4 =	vld.idx.msk [tilespmem:v4+s4+$0x0], $0xffff  }
0x93: {  	s29 =	simm.s32 $0x1B780;
	v5 =	vld.idx.msk [tilespmem:v5+s4+$0x0], $0xffff  }
0x94: {  	v6 =	vld.idx.msk [tilespmem:v6+s4+$0x0], $0xffff;
	[tilespmem:s29+$0x70] =	vst v0  }
0x95: {  	v7 =	vld.idx.msk [tilespmem:v7+s4+$0x0], $0xffff;
	[tilespmem:s29+$0xFFFFFF90] =	vst v1  }
0x96: {  	v15 =	vld.idx.msk [tilespmem:v15+s4+$0x0], $0xffff;
	[tilespmem:s29+$0xFFFFFFA0] =	vst v2  }
0x97: {  	v8 =	vld.idx.msk [tilespmem:v8+s4+$0x0], $0xffff;
	[tilespmem:s29+$0xFFFFFFB0] =	vst v3  }
0x98: {  	[tilespmem:s29+$0xFFFFFFC0] =	vst v4;
	v0 =	vld.idx.msk [tilespmem:v9+s4+$0x0], $0xffff  }
0x99: {  	[tilespmem:s29+$0xFFFFFFD0] =	vst v5;
	v1 =	vld.idx.msk [tilespmem:v10+s4+$0x0], $0xffff  }
0x9a: {  	[tilespmem:s29+$0xFFFFFFE0] =	vst v6;
	v2 =	vld.idx.msk [tilespmem:v11+s4+$0x0], $0xffff  }
0x9b: {  	[tilespmem:s29+$0xFFFFFFF0] =	vst v7;
	v3 =	vld.idx.msk [tilespmem:v12+s4+$0x0], $0xffff  }
0x9c: {  	[tilespmem:s29+$0xFFFFFF80] =	vst v15;
	v4 =	vld.idx.msk [tilespmem:v13+s4+$0x0], $0xffff  }
0x9d: {  	s30 =	simm.s32 $0x0;
	s31 =	simm.s32 $0x19880;
	[tilespmem:s29+$0x0] =	vst v8;
	v5 =	vld.idx.msk [tilespmem:v14+s4+$0x0], $0xffff  }
.LBB2_9:
0x9e: {  	v6 =	vld [tilespmem:s31+$0x70];
	s30 =	sadd.s32 $0x100, s30;
	[tilespmem:s29+$0x10] =	vst v0  }
0x9f: {  	v0 =	vld [tilespmem:s31+$0xFFFFFF90];
	p0 =	slt.u32 s30, $0xF00;
	[tilespmem:s29+$0x20] =	vst v1  }
0xa0: {  	v1 =	vld [tilespmem:s31+$0xFFFFFFA0];
	[tilespmem:s29+$0x30] =	vst v2  }
0xa1: {  	v2 =	vld [tilespmem:s31+$0xFFFFFFB0];
	[tilespmem:s29+$0x40] =	vst v3  }
0xa2: {  	v3 =	vld [tilespmem:s31+$0xFFFFFFC0];
	[tilespmem:s29+$0x50] =	vst v4  }
0xa3: {  	v4 =	vld [tilespmem:s31+$0xFFFFFFD0];
	[tilespmem:s29+$0x60] =	vst v5  }
0xa4: {  	v5 =	vld [tilespmem:s31+$0xFFFFFFE0]  }
0xa5: {  	v7 =	vld [tilespmem:s31+$0xFFFFFFF0]  }
0xa6: {  	v6 =	vld.idx.msk [tilespmem:v6+s4+$0x0], $0xffff  }
0xa7: {  	v8 =	vld [tilespmem:s31+$0x0]  }
0xa8: {  	v9 =	vld [tilespmem:s31+$0x10]  }
0xa9: {  	v10 =	vld [tilespmem:s31+$0x20]  }
0xaa: {  	v11 =	vld [tilespmem:s31+$0x30]  }
0xab: {  	s29 =	sadd.s32 $0x100, s29;
	v12 =	vld [tilespmem:s31+$0x40]  }
0xac: {  	v13 =	vld [tilespmem:s31+$0x50];
	[tilespmem:s29+$0x70] =	vst v6  }
0xad: {  	v6 =	vld [tilespmem:s31+$0x60]  }
0xae: {  	v14 =	vld [tilespmem:s31+$0xFFFFFF80]  }
0xaf: {  	v0 =	vld.idx.msk [tilespmem:v0+s4+$0x0], $0xffff  }
0xb0: {  	v1 =	vld.idx.msk [tilespmem:v1+s4+$0x0], $0xffff  }
0xb1: {  	v2 =	vld.idx.msk [tilespmem:v2+s4+$0x0], $0xffff  }
0xb2: {  	v3 =	vld.idx.msk [tilespmem:v3+s4+$0x0], $0xffff  }
0xb3: {  	v4 =	vld.idx.msk [tilespmem:v4+s4+$0x0], $0xffff  }
0xb4: {  	v5 =	vld.idx.msk [tilespmem:v5+s4+$0x0], $0xffff  }
0xb5: {  	[tilespmem:s29+$0xFFFFFF90] =	vst v0;
	v7 =	vld.idx.msk [tilespmem:v7+s4+$0x0], $0xffff  }
0xb6: {  	v14 =	vld.idx.msk [tilespmem:v14+s4+$0x0], $0xffff;
	[tilespmem:s29+$0xFFFFFFA0] =	vst v1  }
0xb7: {  	[tilespmem:s29+$0xFFFFFFB0] =	vst v2;
	v8 =	vld.idx.msk [tilespmem:v8+s4+$0x0], $0xffff  }
0xb8: {  	[tilespmem:s29+$0xFFFFFFC0] =	vst v3;
	v0 =	vld.idx.msk [tilespmem:v9+s4+$0x0], $0xffff  }
.Ltmp6:
0xb9: {  	[tilespmem:s29+$0xFFFFFFD0] =	vst v4;
	v1 =	vld.idx.msk [tilespmem:v10+s4+$0x0], $0xffff;
	(pc) =	sbr.rel @p0 .LBB2_9-.Ltmp6, $4  }
0xba: {  	[tilespmem:s29+$0xFFFFFFE0] =	vst v5;
	v2 =	vld.idx.msk [tilespmem:v11+s4+$0x0], $0xffff  }
0xbb: {  	[tilespmem:s29+$0xFFFFFFF0] =	vst v7;
	v3 =	vld.idx.msk [tilespmem:v12+s4+$0x0], $0xffff  }
0xbc: {  	[tilespmem:s29+$0xFFFFFF80] =	vst v14;
	v4 =	vld.idx.msk [tilespmem:v13+s4+$0x0], $0xffff  }
0xbd: {  	s31 =	sadd.s32 $0x100, s31;
	[tilespmem:s29+$0x0] =	vst v8;
	v5 =	vld.idx.msk [tilespmem:v6+s4+$0x0], $0xffff  }
0xbe: {  	[tilespmem:s29+$0x10] =	vst v0  }
0xbf: {  	[tilespmem:s29+$0x20] =	vst v1;
	p0 =	seq.s32 s25, $0x18  }
.Ltmp7:
0xc0: {  	[tilespmem:s29+$0x30] =	vst v2;
	(pc) =	sbr.rel @p0 .LBB2_12-.Ltmp7, $4  }
0xc1: {  	[tilespmem:s29+$0x40] =	vst v3  }
0xc2: {  	[tilespmem:s29+$0x50] =	vst v4  }
0xc3: {  	s28 =	sadd.s32 s28, s9;
	[tilespmem:s29+$0x60] =	vst v5  }
0xc4: {  	[hbm4b:s28+s13] =	stream.strided.scatter [tilespmem:s22], [sflag:$0x4], $0x1000, s14, s13, $0x38;
	[tilespmem:$0x1C700] =	vst v63  }
0xc5: {  	s26 =	sadd.s32 $0x3, s26  }
.Ltmp8:
0xc6: {  	s28 =	sshll.u32 s26, $0x4;
	(pc) =	sbr.rel .LBB2_2-.Ltmp8, $4  }
0xc7: {  	s26 =	sshll.u32 s26, $0x9;
	s28 =	sand.u32 $0x70, s28  }
0xc8: {  	s26 =	sand.u32 $0xF000, s26;
	s28 =	sadd.s32 s1, s28  }
0xc9: {  	s25 =	sadd.s32 $0x1, s25;
	s26 =	sadd.s32 s26, s28  }
0xca: {  	[tilespmem:s17], [sflag:$0x2] =	stream.strided.gather [hbm4b:s26+s13], $0x1000, s14, s13, $0x38;
	[tilespmem:$0x1C700] =	vst v63  }
.LBB2_12:
0xcb: {  	s25 =	simm.s32 $0x0  }
0xcc: {  	[tilespmem:s25], [sflag:$0x5] =	stream.strided.gather [hbm4b:s10+s13], $0x18700, s14, s13, $0x38;
	[tilespmem:$0x1C700] =	vst v63  }
0xcd: {  	_ =	swait.ge [sflag:s15], $0x18700  }
0xce: {  	[sflag:s15] =	ssyncset.done $0x0  }
0xcf: {  	[sflag:s15] =	ssyncadd.s32 $0xFFFE7900  }
0xd0: {  	[tilespmem:s16], [sflag:$0x1] =	stream.strided.gather [hbm4b:s1+s13], $0x1000, s14, s13, $0x38;
	[tilespmem:$0x1C700] =	vst v63  }
0xd1: {  	_ = 	snop  }
0xd2: {  	[tilespmem:s17], [sflag:$0x2] =	stream.strided.gather [hbm4b:s7+s13], $0x1000, s14, s13, $0x38;
	[tilespmem:$0x1C700] =	vst v63  }
.LBB2_13:
0xd3: {  	_ =	swait.ge [sflag:s18], $0x1000  }
0xd4: {  	[sflag:s18] =	ssyncset.done $0x0  }
0xd5: {  	[sflag:s18] =	ssyncadd.s32 $0xFFFFF000  }
0xd6: {  	_ =	swait.ge [sflag:s23], $0x1000  }
0xd7: {  	[sflag:s23] =	ssyncset.done $0x0  }
0xd8: {  	s26 =	simm.s32 $0x18780;
	[sflag:s23] =	ssyncadd.s32 $0xFFFFF000  }
0xd9: {  	v0 =	vld [tilespmem:s26+$0x70]  }
0xda: {  	v1 =	vld [tilespmem:s26+$0xFFFFFF90]  }
0xdb: {  	v2 =	vld [tilespmem:s26+$0xFFFFFFA0]  }
0xdc: {  	v3 =	vld [tilespmem:s26+$0xFFFFFFB0]  }
0xdd: {  	v4 =	vld [tilespmem:s26+$0xFFFFFFC0]  }
0xde: {  	v5 =	vld [tilespmem:s26+$0xFFFFFFD0]  }
0xdf: {  	v6 =	vld [tilespmem:s26+$0xFFFFFFE0]  }
0xe0: {  	v7 =	vld [tilespmem:s26+$0xFFFFFFF0]  }
0xe1: {  	v8 =	vld [tilespmem:s26+$0x0]  }
0xe2: {  	v9 =	vld [tilespmem:s26+$0x10]  }
0xe3: {  	v10 =	vld [tilespmem:s26+$0x20]  }
0xe4: {  	v11 =	vld [tilespmem:s26+$0x30]  }
0xe5: {  	v12 =	vld [tilespmem:s26+$0x40]  }
0xe6: {  	v13 =	vld [tilespmem:s26+$0x50]  }
0xe7: {  	v14 =	vld [tilespmem:s26+$0x60]  }
0xe8: {  	v15 =	vld [tilespmem:s26+$0xFFFFFF80]  }
0xe9: {  	v0 =	vld.idx.msk [tilespmem:v0+s4+$0x0], $0xffff  }
0xea: {  	v1 =	vld.idx.msk [tilespmem:v1+s4+$0x0], $0xffff  }
0xeb: {  	v2 =	vld.idx.msk [tilespmem:v2+s4+$0x0], $0xffff  }
0xec: {  	v3 =	vld.idx.msk [tilespmem:v3+s4+$0x0], $0xffff  }
0xed: {  	v4 =	vld.idx.msk [tilespmem:v4+s4+$0x0], $0xffff  }
0xee: {  	s26 =	simm.s32 $0x1A780;
	v5 =	vld.idx.msk [tilespmem:v5+s4+$0x0], $0xffff  }
0xef: {  	v6 =	vld.idx.msk [tilespmem:v6+s4+$0x0], $0xffff;
	[tilespmem:s26+$0x70] =	vst v0  }
0xf0: {  	v7 =	vld.idx.msk [tilespmem:v7+s4+$0x0], $0xffff;
	[tilespmem:s26+$0xFFFFFF90] =	vst v1  }
0xf1: {  	v15 =	vld.idx.msk [tilespmem:v15+s4+$0x0], $0xffff;
	[tilespmem:s26+$0xFFFFFFA0] =	vst v2  }
0xf2: {  	v8 =	vld.idx.msk [tilespmem:v8+s4+$0x0], $0xffff;
	[tilespmem:s26+$0xFFFFFFB0] =	vst v3  }
0xf3: {  	[tilespmem:s26+$0xFFFFFFC0] =	vst v4;
	v0 =	vld.idx.msk [tilespmem:v9+s4+$0x0], $0xffff  }
0xf4: {  	[tilespmem:s26+$0xFFFFFFD0] =	vst v5;
	v1 =	vld.idx.msk [tilespmem:v10+s4+$0x0], $0xffff  }
0xf5: {  	[tilespmem:s26+$0xFFFFFFE0] =	vst v6;
	v2 =	vld.idx.msk [tilespmem:v11+s4+$0x0], $0xffff  }
0xf6: {  	[tilespmem:s26+$0xFFFFFFF0] =	vst v7;
	v3 =	vld.idx.msk [tilespmem:v12+s4+$0x0], $0xffff  }
0xf7: {  	[tilespmem:s26+$0xFFFFFF80] =	vst v15;
	v4 =	vld.idx.msk [tilespmem:v13+s4+$0x0], $0xffff  }
0xf8: {  	s28 =	simm.s32 $0x0;
	s29 =	simm.s32 $0x18880;
	[tilespmem:s26+$0x0] =	vst v8;
	v5 =	vld.idx.msk [tilespmem:v14+s4+$0x0], $0xffff  }
.LBB2_14:
0xf9: {  	v6 =	vld [tilespmem:s29+$0x70];
	s28 =	sadd.s32 $0x100, s28;
	[tilespmem:s26+$0x10] =	vst v0  }
0xfa: {  	v0 =	vld [tilespmem:s29+$0xFFFFFF90];
	p0 =	slt.u32 s28, $0xF00;
	[tilespmem:s26+$0x20] =	vst v1  }
0xfb: {  	v1 =	vld [tilespmem:s29+$0xFFFFFFA0];
	[tilespmem:s26+$0x30] =	vst v2  }
0xfc: {  	v2 =	vld [tilespmem:s29+$0xFFFFFFB0];
	[tilespmem:s26+$0x40] =	vst v3  }
0xfd: {  	v3 =	vld [tilespmem:s29+$0xFFFFFFC0];
	[tilespmem:s26+$0x50] =	vst v4  }
0xfe: {  	v4 =	vld [tilespmem:s29+$0xFFFFFFD0];
	[tilespmem:s26+$0x60] =	vst v5  }
0xff: {  	v5 =	vld [tilespmem:s29+$0xFFFFFFE0]  }
0x100: {  	v7 =	vld [tilespmem:s29+$0xFFFFFFF0]  }
0x101: {  	v6 =	vld.idx.msk [tilespmem:v6+s4+$0x0], $0xffff  }
0x102: {  	v8 =	vld [tilespmem:s29+$0x0]  }
0x103: {  	v9 =	vld [tilespmem:s29+$0x10]  }
0x104: {  	v10 =	vld [tilespmem:s29+$0x20]  }
0x105: {  	v11 =	vld [tilespmem:s29+$0x30]  }
0x106: {  	s26 =	sadd.s32 $0x100, s26;
	v12 =	vld [tilespmem:s29+$0x40]  }
0x107: {  	v13 =	vld [tilespmem:s29+$0x50];
	[tilespmem:s26+$0x70] =	vst v6  }
0x108: {  	v6 =	vld [tilespmem:s29+$0x60]  }
0x109: {  	v14 =	vld [tilespmem:s29+$0xFFFFFF80]  }
0x10a: {  	v0 =	vld.idx.msk [tilespmem:v0+s4+$0x0], $0xffff  }
0x10b: {  	v1 =	vld.idx.msk [tilespmem:v1+s4+$0x0], $0xffff  }
0x10c: {  	v2 =	vld.idx.msk [tilespmem:v2+s4+$0x0], $0xffff  }
0x10d: {  	v3 =	vld.idx.msk [tilespmem:v3+s4+$0x0], $0xffff  }
0x10e: {  	v4 =	vld.idx.msk [tilespmem:v4+s4+$0x0], $0xffff  }
0x10f: {  	v5 =	vld.idx.msk [tilespmem:v5+s4+$0x0], $0xffff  }
0x110: {  	[tilespmem:s26+$0xFFFFFF90] =	vst v0;
	v7 =	vld.idx.msk [tilespmem:v7+s4+$0x0], $0xffff  }
0x111: {  	v14 =	vld.idx.msk [tilespmem:v14+s4+$0x0], $0xffff;
	[tilespmem:s26+$0xFFFFFFA0] =	vst v1  }
0x112: {  	[tilespmem:s26+$0xFFFFFFB0] =	vst v2;
	v8 =	vld.idx.msk [tilespmem:v8+s4+$0x0], $0xffff  }
0x113: {  	[tilespmem:s26+$0xFFFFFFC0] =	vst v3;
	v0 =	vld.idx.msk [tilespmem:v9+s4+$0x0], $0xffff  }
.Ltmp9:
0x114: {  	[tilespmem:s26+$0xFFFFFFD0] =	vst v4;
	v1 =	vld.idx.msk [tilespmem:v10+s4+$0x0], $0xffff;
	(pc) =	sbr.rel @p0 .LBB2_14-.Ltmp9, $4  }
0x115: {  	[tilespmem:s26+$0xFFFFFFE0] =	vst v5;
	v2 =	vld.idx.msk [tilespmem:v11+s4+$0x0], $0xffff  }
0x116: {  	[tilespmem:s26+$0xFFFFFFF0] =	vst v7;
	v3 =	vld.idx.msk [tilespmem:v12+s4+$0x0], $0xffff  }
0x117: {  	[tilespmem:s26+$0xFFFFFF80] =	vst v14;
	v4 =	vld.idx.msk [tilespmem:v13+s4+$0x0], $0xffff  }
0x118: {  	s29 =	sadd.s32 $0x100, s29;
	[tilespmem:s26+$0x0] =	vst v8;
	v5 =	vld.idx.msk [tilespmem:v6+s4+$0x0], $0xffff  }
0x119: {  	[tilespmem:s26+$0x10] =	vst v0  }
0x11a: {  	[tilespmem:s26+$0x20] =	vst v1;
	s28 =	sshll.u32 s25, $0x13  }
0x11b: {  	[tilespmem:s26+$0x30] =	vst v2;
	s28 =	sor.u32 s28, s11  }
0x11c: {  	[tilespmem:s26+$0x40] =	vst v3;
	s28 =	sor.u32 s5, s28  }
0x11d: {  	[tilespmem:s26+$0x50] =	vst v4;
	s28 =	sshrl.u32 s28, $0x3  }
0x11e: {  	p0 =	seq.s32 s25, $0x18;
	[tilespmem:s26+$0x60] =	vst v5;
	s0 =	sadd.s32 s2, s28;
	s26 =	sshll.u32 s25, $0x1  }
0x11f: {  	[hbm4b:s0+s13] =	stream.strided.scatter [tilespmem:s19], [sflag:$0x3], $0x1000, s14, s13, $0x38;
	[tilespmem:$0x1C700] =	vst v63  }
0x120: {  	s29 =	sadd.s32 @!p0 $0x2, s26  }
0x121: {  	s30 =	sshll.u32 @!p0 s29, $0x4  }
0x122: {  	s29 =	sshll.u32 @!p0 s29, $0x9;
	s30 =	sand.u32 @!p0 $0x60, s30  }
0x123: {  	s31 =	simm.s32 @!p0 $0x400;
	s29 =	sand.u32 @!p0 $0xF000, s29;
	s30 =	sadd.s32 @!p0 s1, s30  }
0x124: {  	s0 =	simm.s32 @!p0 $0x18700;
	s29 =	sadd.s32 @!p0 s29, s30;
	s30 =	simm.s32 @!p0 $0x80  }
0x125: {  	[tilespmem:s0], [sflag:$0x1] =	stream.strided.gather @!p0 [hbm4b:s29+s30], $0x1000, s31, s30, $0x38;
	[tilespmem:$0x1C700] =	vst v63  }
0x126: {  	_ =	swait.ge [sflag:s20], $0x1000  }
0x127: {  	[sflag:s20] =	ssyncset.done $0x0  }
0x128: {  	[sflag:s20] =	ssyncadd.s32 $0xFFFFF000  }
0x129: {  	_ =	swait.ge [sflag:s21], $0x1000  }
0x12a: {  	[sflag:s21] =	ssyncset.done $0x0  }
0x12b: {  	s0 =	simm.s32 $0x19780;
	[sflag:s21] =	ssyncadd.s32 $0xFFFFF000  }
0x12c: {  	v0 =	vld [tilespmem:s0+$0x70]  }
0x12d: {  	v1 =	vld [tilespmem:s0+$0xFFFFFF90]  }
0x12e: {  	v2 =	vld [tilespmem:s0+$0xFFFFFFA0]  }
0x12f: {  	v3 =	vld [tilespmem:s0+$0xFFFFFFB0]  }
0x130: {  	v4 =	vld [tilespmem:s0+$0xFFFFFFC0]  }
0x131: {  	v5 =	vld [tilespmem:s0+$0xFFFFFFD0]  }
0x132: {  	v6 =	vld [tilespmem:s0+$0xFFFFFFE0]  }
0x133: {  	v7 =	vld [tilespmem:s0+$0xFFFFFFF0]  }
0x134: {  	v8 =	vld [tilespmem:s0+$0x0]  }
0x135: {  	v9 =	vld [tilespmem:s0+$0x10]  }
0x136: {  	v10 =	vld [tilespmem:s0+$0x20]  }
0x137: {  	v11 =	vld [tilespmem:s0+$0x30]  }
0x138: {  	v12 =	vld [tilespmem:s0+$0x40]  }
0x139: {  	v13 =	vld [tilespmem:s0+$0x50]  }
0x13a: {  	v14 =	vld [tilespmem:s0+$0x60]  }
0x13b: {  	v15 =	vld [tilespmem:s0+$0xFFFFFF80]  }
0x13c: {  	v0 =	vld.idx.msk [tilespmem:v0+s4+$0x0], $0xffff  }
0x13d: {  	v1 =	vld.idx.msk [tilespmem:v1+s4+$0x0], $0xffff  }
0x13e: {  	v2 =	vld.idx.msk [tilespmem:v2+s4+$0x0], $0xffff  }
0x13f: {  	v3 =	vld.idx.msk [tilespmem:v3+s4+$0x0], $0xffff  }
0x140: {  	v4 =	vld.idx.msk [tilespmem:v4+s4+$0x0], $0xffff  }
0x141: {  	s29 =	simm.s32 $0x1B780;
	v5 =	vld.idx.msk [tilespmem:v5+s4+$0x0], $0xffff  }
0x142: {  	v6 =	vld.idx.msk [tilespmem:v6+s4+$0x0], $0xffff;
	[tilespmem:s29+$0x70] =	vst v0  }
0x143: {  	v7 =	vld.idx.msk [tilespmem:v7+s4+$0x0], $0xffff;
	[tilespmem:s29+$0xFFFFFF90] =	vst v1  }
0x144: {  	v15 =	vld.idx.msk [tilespmem:v15+s4+$0x0], $0xffff;
	[tilespmem:s29+$0xFFFFFFA0] =	vst v2  }
0x145: {  	v8 =	vld.idx.msk [tilespmem:v8+s4+$0x0], $0xffff;
	[tilespmem:s29+$0xFFFFFFB0] =	vst v3  }
0x146: {  	[tilespmem:s29+$0xFFFFFFC0] =	vst v4;
	v0 =	vld.idx.msk [tilespmem:v9+s4+$0x0], $0xffff  }
0x147: {  	[tilespmem:s29+$0xFFFFFFD0] =	vst v5;
	v1 =	vld.idx.msk [tilespmem:v10+s4+$0x0], $0xffff  }
0x148: {  	[tilespmem:s29+$0xFFFFFFE0] =	vst v6;
	v2 =	vld.idx.msk [tilespmem:v11+s4+$0x0], $0xffff  }
0x149: {  	[tilespmem:s29+$0xFFFFFFF0] =	vst v7;
	v3 =	vld.idx.msk [tilespmem:v12+s4+$0x0], $0xffff  }
0x14a: {  	[tilespmem:s29+$0xFFFFFF80] =	vst v15;
	v4 =	vld.idx.msk [tilespmem:v13+s4+$0x0], $0xffff  }
0x14b: {  	s30 =	simm.s32 $0x0;
	s31 =	simm.s32 $0x19880;
	[tilespmem:s29+$0x0] =	vst v8;
	v5 =	vld.idx.msk [tilespmem:v14+s4+$0x0], $0xffff  }
.LBB2_16:
0x14c: {  	v6 =	vld [tilespmem:s31+$0x70];
	s30 =	sadd.s32 $0x100, s30;
	[tilespmem:s29+$0x10] =	vst v0  }
0x14d: {  	v0 =	vld [tilespmem:s31+$0xFFFFFF90];
	p1 =	slt.u32 s30, $0xF00;
	[tilespmem:s29+$0x20] =	vst v1  }
0x14e: {  	v1 =	vld [tilespmem:s31+$0xFFFFFFA0];
	[tilespmem:s29+$0x30] =	vst v2  }
0x14f: {  	v2 =	vld [tilespmem:s31+$0xFFFFFFB0];
	[tilespmem:s29+$0x40] =	vst v3  }
0x150: {  	v3 =	vld [tilespmem:s31+$0xFFFFFFC0];
	[tilespmem:s29+$0x50] =	vst v4  }
0x151: {  	v4 =	vld [tilespmem:s31+$0xFFFFFFD0];
	[tilespmem:s29+$0x60] =	vst v5  }
0x152: {  	v5 =	vld [tilespmem:s31+$0xFFFFFFE0]  }
0x153: {  	v7 =	vld [tilespmem:s31+$0xFFFFFFF0]  }
0x154: {  	v6 =	vld.idx.msk [tilespmem:v6+s4+$0x0], $0xffff  }
0x155: {  	v8 =	vld [tilespmem:s31+$0x0]  }
0x156: {  	v9 =	vld [tilespmem:s31+$0x10]  }
0x157: {  	v10 =	vld [tilespmem:s31+$0x20]  }
0x158: {  	v11 =	vld [tilespmem:s31+$0x30]  }
0x159: {  	s29 =	sadd.s32 $0x100, s29;
	v12 =	vld [tilespmem:s31+$0x40]  }
0x15a: {  	v13 =	vld [tilespmem:s31+$0x50];
	[tilespmem:s29+$0x70] =	vst v6  }
0x15b: {  	v6 =	vld [tilespmem:s31+$0x60]  }
0x15c: {  	v14 =	vld [tilespmem:s31+$0xFFFFFF80]  }
0x15d: {  	v0 =	vld.idx.msk [tilespmem:v0+s4+$0x0], $0xffff  }
0x15e: {  	v1 =	vld.idx.msk [tilespmem:v1+s4+$0x0], $0xffff  }
0x15f: {  	v2 =	vld.idx.msk [tilespmem:v2+s4+$0x0], $0xffff  }
0x160: {  	v3 =	vld.idx.msk [tilespmem:v3+s4+$0x0], $0xffff  }
0x161: {  	v4 =	vld.idx.msk [tilespmem:v4+s4+$0x0], $0xffff  }
0x162: {  	v5 =	vld.idx.msk [tilespmem:v5+s4+$0x0], $0xffff  }
0x163: {  	[tilespmem:s29+$0xFFFFFF90] =	vst v0;
	v7 =	vld.idx.msk [tilespmem:v7+s4+$0x0], $0xffff  }
0x164: {  	v14 =	vld.idx.msk [tilespmem:v14+s4+$0x0], $0xffff;
	[tilespmem:s29+$0xFFFFFFA0] =	vst v1  }
0x165: {  	[tilespmem:s29+$0xFFFFFFB0] =	vst v2;
	v8 =	vld.idx.msk [tilespmem:v8+s4+$0x0], $0xffff  }
0x166: {  	[tilespmem:s29+$0xFFFFFFC0] =	vst v3;
	v0 =	vld.idx.msk [tilespmem:v9+s4+$0x0], $0xffff  }
.Ltmp10:
0x167: {  	[tilespmem:s29+$0xFFFFFFD0] =	vst v4;
	v1 =	vld.idx.msk [tilespmem:v10+s4+$0x0], $0xffff;
	(pc) =	sbr.rel @p1 .LBB2_16-.Ltmp10, $4  }
0x168: {  	[tilespmem:s29+$0xFFFFFFE0] =	vst v5;
	v2 =	vld.idx.msk [tilespmem:v11+s4+$0x0], $0xffff  }
0x169: {  	[tilespmem:s29+$0xFFFFFFF0] =	vst v7;
	v3 =	vld.idx.msk [tilespmem:v12+s4+$0x0], $0xffff  }
0x16a: {  	[tilespmem:s29+$0xFFFFFF80] =	vst v14;
	v4 =	vld.idx.msk [tilespmem:v13+s4+$0x0], $0xffff  }
0x16b: {  	s31 =	sadd.s32 $0x100, s31;
	[tilespmem:s29+$0x0] =	vst v8;
	v5 =	vld.idx.msk [tilespmem:v6+s4+$0x0], $0xffff  }
0x16c: {  	[tilespmem:s29+$0x10] =	vst v0  }
0x16d: {  	[tilespmem:s29+$0x20] =	vst v1  }
.Ltmp11:
0x16e: {  	[tilespmem:s29+$0x30] =	vst v2;
	(pc) =	sbr.rel @p0 .LBB2_19-.Ltmp11, $4  }
0x16f: {  	[tilespmem:s29+$0x40] =	vst v3  }
0x170: {  	s0 =	sor.u32 $0x8000, s28;
	[tilespmem:s29+$0x50] =	vst v4  }
0x171: {  	s0 =	sadd.s32 s2, s0;
	[tilespmem:s29+$0x60] =	vst v5  }
0x172: {  	[hbm4b:s0+s13] =	stream.strided.scatter [tilespmem:s22], [sflag:$0x4], $0x1000, s14, s13, $0x38;
	[tilespmem:$0x1C700] =	vst v63  }
0x173: {  	s0 =	sadd.s32 $0x3, s26  }
.Ltmp12:
0x174: {  	s26 =	sshll.u32 s0, $0x4;
	(pc) =	sbr.rel .LBB2_13-.Ltmp12, $4  }
0x175: {  	s0 =	sshll.u32 s0, $0x9;
	s26 =	sand.u32 $0x70, s26  }
0x176: {  	s0 =	sand.u32 $0xF000, s0;
	s26 =	sadd.s32 s1, s26  }
0x177: {  	s25 =	sadd.s32 $0x1, s25;
	s0 =	sadd.s32 s0, s26  }
0x178: {  	[tilespmem:s17], [sflag:$0x2] =	stream.strided.gather [hbm4b:s0+s13], $0x1000, s14, s13, $0x38;
	[tilespmem:$0x1C700] =	vst v63  }
.LBB2_20:
0x179: {  	_ =	sfence.sel $0x180000  }
0x17a: {  	[bflag:$0x0] =	sbarrier.arrive $0xFFFF  }
0x17b: {  	_ =	strace $0x90000047  }
0x17c: {  	[bflag:$0x2] =	sbarrier.arrive $0xFFFF  }
0x17d: {  	p0 =	sne.s32 s3, $0x0;
	s0 =	rddreg [dreg:$0x3]  }
0x17e: {  	s0 =	sadd.s32 @!p0 $0x100000, s0  }
0x17f: {  	[sflag:s0] =	ssyncadd.tile.s32 @!p0 $0x1;
	_ =	shalt  }
.Lfunc_end2:
_tile_overlayer_lowered:
.L_overlay_start_2:
0x180: {  	(tag) =	ssettag $0x2  }
0x181: {  	s0 =	rddreg [dreg:$0x0];
	s2 =	stileid.u32  }
0x182: {  	s1 =	rddreg [dreg:$0x1];
	p0 =	sne.s32 s2, $0x0  }
0x183: {  	s3 =	rddreg [dreg:$0x2];
	[bflag:$0x3] =	sbarrier.arrive $0xFFFF;
	s2 =	simm.s32 @!p0 $0x1C05  }
0x184: {  	[timem:s3], [sflag:s2] =	dma.local @!p0 [hbm:s0], s1  }
0x185: {  	s0 =	simm.s32 @!p0 $0x5  }
0x186: {  	_ =	swait.ge @!p0 [sflag:s0], s1  }
0x187: {  	s1 =	ssub.s32 @!p0 $0x0, s1;
	[sflag:s0] =	ssyncset.done @!p0 $0x0  }
0x188: {  	[sflag:s0] =	ssyncadd.s32 @!p0 s1  }
0x189: {  	[bflag:$0x3] =	sbarrier.arrive $0xFFFF  }
0x18a: {  	_ =	shalt  }

</sc_bundles>
